<compile_context>
chip_gen: v7x
topology: tpu7x:2x2x1
jax: 0.10.2.dev20260603
libtpu: 0.0.44.dev20260713+nightly
codegen_flags: <defaults>
</compile_context>

<pallas_src>
import functools

import jax
import jax.numpy as jnp
from jax import lax
from jax.experimental import pallas as pl
from jax.experimental.pallas import tpu as pltpu
from jax.experimental.pallas import tpu_sc as plsc

D_MODEL = 1024
BATCH = 4
SEQ = 4096
LANES = 16

NC = 2
NS = 16
NW = NC * NS
S_PER_W = SEQ // NW
CH = 16
NCHUNK = S_PER_W // CH


def _add_pe(rows_ref, pe_ref):
    def row_body(r, carry):
        def col_body(qq, carry2):
            sl = pl.ds(qq * LANES, LANES)
            rows_ref[r, sl] = rows_ref[r, sl] + pe_ref[r, sl]
            return carry2
        return lax.fori_loop(0, D_MODEL // LANES, col_body, carry, unroll=4)
    lax.fori_loop(0, CH, row_body, 0)


def _body(x_hbm, pe_hbm, table_hbm, out_hbm,
          idx_all, r0, r1, r2, r3, pb0, pb1,
          sg0, sg1, sg2, sg3, so0, so1, so2, so3, sp0, sp1):
    rows = (r0, r1, r2, r3)
    pe_b = (pb0, pb1)
    sem_g = (sg0, sg1, sg2, sg3)
    sem_o = (so0, so1, so2, so3)
    sem_p = (sp0, sp1)

    wid = lax.axis_index("s") * NC + lax.axis_index("c")
    s_base = wid * S_PER_W

    for b in range(BATCH):
        pltpu.sync_copy(x_hbm.at[b, pl.ds(s_base, S_PER_W)], idx_all.at[b])

    def pe_start(j, g):
        return pltpu.async_copy(pe_hbm.at[pl.ds(s_base + j * CH, CH)],
                                pe_b[g], sem_p[g])

    def gather_start(b, j, p):
        return pltpu.async_copy(
            table_hbm.at[idx_all.at[b, pl.ds(j * CH, CH)]],
            rows[p], sem_g[p])

    def gather_wait(b, j, p):
        pltpu.make_async_copy(
            table_hbm.at[idx_all.at[b, pl.ds(j * CH, CH)]],
            rows[p], sem_g[p]).wait()

    def out_start(b, j, p):
        return pltpu.async_copy(
            rows[p], out_hbm.at[b, pl.ds(s_base + j * CH, CH)], sem_o[p])

    def out_wait(p):
        pltpu.make_async_copy(
            rows[p], out_hbm.at[0, pl.ds(s_base, CH)], sem_o[p]).wait()

    pe_start(0, 0)
    gather_start(0, 0, 0)
    gather_start(1, 0, 1)

    def pair(jj, carry):
        for g in range(2):
            j = 2 * jj + g
            pltpu.make_async_copy(pe_hbm.at[pl.ds(s_base + j * CH, CH)],
                                  pe_b[g], sem_p[g]).wait()
            if g == 0:
                pe_start(j + 1, 1)
            else:
                @pl.when(jj < NCHUNK // 2 - 1)
                def _():
                    pe_start(j + 1, 0)
            for b in range(BATCH):
                gather_wait(b, j, b)
                if b < 2:
                    if g == 0:
                        @pl.when(jj > 0)
                        def _():
                            out_wait(b + 2)
                    else:
                        out_wait(b + 2)
                    gather_start(b + 2, j, b + 2)
                else:
                    out_wait(b - 2)
                    if g == 0:
                        gather_start(b - 2, j + 1, b - 2)
                    else:
                        @pl.when(jj < NCHUNK // 2 - 1)
                        def _():
                            gather_start(b - 2, j + 1, b - 2)
                _add_pe(rows[b], pe_b[g])
                out_start(b, j, b)
        return carry

    lax.fori_loop(0, NCHUNK // 2, pair, 0)
    out_wait(2)
    out_wait(3)


@functools.partial(jax.jit, static_argnames=())
def kernel(x, table, pe):
    xi = x.astype(jnp.int32)
    pe2 = pe.reshape(pe.shape[1], pe.shape[2])
    mesh = plsc.VectorSubcoreMesh(core_axis_name="c", subcore_axis_name="s")
    run = functools.partial(
        pl.kernel,
        out_type=jax.ShapeDtypeStruct((BATCH, SEQ, D_MODEL), jnp.float32),
        mesh=mesh,
        scratch_types=[
            pltpu.VMEM((BATCH, S_PER_W), jnp.int32),
            pltpu.VMEM((CH, D_MODEL), jnp.float32),
            pltpu.VMEM((CH, D_MODEL), jnp.float32),
            pltpu.VMEM((CH, D_MODEL), jnp.float32),
            pltpu.VMEM((CH, D_MODEL), jnp.float32),
            pltpu.VMEM((CH, D_MODEL), jnp.float32),
            pltpu.VMEM((CH, D_MODEL), jnp.float32),
        ] + [pltpu.SemaphoreType.DMA] * 10,
    )(_body)
    return run(xi, pe2, table)

# --- scband reference (transcript-rebuilt; emitter-appended) ---
"""Pipeline reference for scband-positional-encoding-58497454571708 (READ-ONLY COPY).

The authoritative reference and input builder live on the scoring server;
editing this copy changes nothing except your own understanding.
"""

import math
import jax, jax.numpy as jnp
import numpy as np

D_MODEL = 1024
MAX_LEN = 5000
VOCAB = 50257
BATCH = 4
SEQ = 4096


def _make_pe(max_len, d_model):
    pos = jnp.arange(max_len, dtype=jnp.float32)[:, None]
    div_term = jnp.exp(jnp.arange(0, d_model, 2, dtype=jnp.float32) * (-math.log(10000.0) / d_model))
    pe = jnp.zeros((max_len, d_model), dtype=jnp.float32)
    pe = pe.at[:, 0::2].set(jnp.sin(pos * div_term))
    pe = pe.at[:, 1::2].set(jnp.cos(pos * div_term))
    return pe[None, :, :]


def setup_inputs(seed: int = 0) -> dict:
    key = jax.random.key(seed)
    k_x, k_w = jax.random.split(key)
    x = jax.random.randint(k_x, (BATCH, SEQ), 0, VOCAB, dtype=jnp.int64)
    # nn.Embedding default init: N(0, 1)
    table = jax.random.normal(k_w, (VOCAB, D_MODEL), dtype=jnp.float32)
    pe = _make_pe(MAX_LEN, D_MODEL)
    return {"x": x, "table": table, "pe": pe}


def reference(x, table, pe):
    length = x.shape[1]
    emb = jnp.take(table, x, axis=0)
    return emb + pe[:, :length, :]

if __name__ == "__main__":
    import jax
    _d = setup_inputs()
    print(jax.jit(kernel)(*tuple(_d.values())))

</pallas_src>

<mosaic_0001>
#map = affine_map<(d0, d1) -> (0, 0)>
#map1 = affine_map<(d0, d1) -> (0, 0, 0)>
module attributes {stable_mosaic.version = 14 : i64} {
  func.func @_body(%arg0: i32, %arg1: i32, %arg2: memref<4x4096xi32, #tpu.memory_space<hbm>>, %arg3: memref<5000x1024xf32, #tpu.memory_space<hbm>>, %arg4: memref<50257x1024xf32, #tpu.memory_space<hbm>>, %arg5: memref<4x4096x1024xf32, #tpu.memory_space<hbm>>, %arg6: memref<4x128xi32, #tpu.memory_space<vmem>>, %arg7: memref<16x1024xf32, #tpu.memory_space<vmem>>, %arg8: memref<16x1024xf32, #tpu.memory_space<vmem>>, %arg9: memref<16x1024xf32, #tpu.memory_space<vmem>>, %arg10: memref<16x1024xf32, #tpu.memory_space<vmem>>, %arg11: memref<16x1024xf32, #tpu.memory_space<vmem>>, %arg12: memref<16x1024xf32, #tpu.memory_space<vmem>>, %arg13: memref<!tpu.dma_semaphore, #tpu.memory_space<semaphore_mem>>, %arg14: memref<!tpu.dma_semaphore, #tpu.memory_space<semaphore_mem>>, %arg15: memref<!tpu.dma_semaphore, #tpu.memory_space<semaphore_mem>>, %arg16: memref<!tpu.dma_semaphore, #tpu.memory_space<semaphore_mem>>, %arg17: memref<!tpu.dma_semaphore, #tpu.memory_space<semaphore_mem>>, %arg18: memref<!tpu.dma_semaphore, #tpu.memory_space<semaphore_mem>>, %arg19: memref<!tpu.dma_semaphore, #tpu.memory_space<semaphore_mem>>, %arg20: memref<!tpu.dma_semaphore, #tpu.memory_space<semaphore_mem>>, %arg21: memref<!tpu.dma_semaphore, #tpu.memory_space<semaphore_mem>>, %arg22: memref<!tpu.dma_semaphore, #tpu.memory_space<semaphore_mem>>) attributes {dimension_semantics = [#tpu.dimension_semantics<core_parallel>, #tpu.dimension_semantics<subcore_parallel>], iteration_bounds = array<i64: 2, 16>, scalar_prefetch = 0 : i64, scratch_operands = 17 : i64, tpu.core_type = #tpu.core_type<sc_vector_subcore>, window_params = [{transform_indices = #map}, {transform_indices = #map}, {transform_indices = #map}, {transform_indices = #map1}]} {
    %mul3A = arith.constant 2 : i32
    %mul3A_0 = arith.muli %arg1, %mul3A : i32
    %add3A = arith.addi %mul3A_0, %arg0 : i32
    %mul3A_1 = arith.constant 128 : i32
    %mul3A_2 = arith.muli %add3A, %mul3A_1 : i32
    %run_scoped3A = arith.constant 0 : i32
    %run_scoped3A_3 = arith.constant 0 : i32
    "tpu.region"() ({
      %run_scoped3A_47 = tpu.sem_alloc : memref<!tpu.dma_semaphore, #tpu.memory_space<semaphore_mem>>
      %dma_start3A_48 = arith.constant 0 : i32
      %dma_start3A_49 = tpu.memref_slice %arg6[%run_scoped3A_3, %dma_start3A_48] : memref<4x128xi32, #tpu.memory_space<vmem>> -> memref<1x128xi32, #tpu.memory_space<vmem>>
      %dma_start3A_50 = tpu.memref_squeeze %dma_start3A_49 : memref<1x128xi32, #tpu.memory_space<vmem>> -> memref<128xi32, #tpu.memory_space<vmem>>
      %dma_start3A_51 = tpu.memref_slice %arg2[%run_scoped3A, %mul3A_2] : memref<4x4096xi32, #tpu.memory_space<hbm>> -> memref<1x128xi32, #tpu.memory_space<hbm>>
      %dma_start3A_52 = tpu.memref_squeeze %dma_start3A_51 : memref<1x128xi32, #tpu.memory_space<hbm>> -> memref<128xi32, #tpu.memory_space<hbm>>
      %dma_start3A_53 = arith.constant 0 : i32
      %dma_start3A_54 = tpu.memref_slice %arg6[%run_scoped3A_3, %dma_start3A_53] : memref<4x128xi32, #tpu.memory_space<vmem>> -> memref<1x128xi32, #tpu.memory_space<vmem>>
      %dma_start3A_55 = tpu.memref_squeeze %dma_start3A_54 : memref<1x128xi32, #tpu.memory_space<vmem>> -> memref<128xi32, #tpu.memory_space<vmem>>
      %dma_start3A_56 = tpu.memref_slice %arg2[%run_scoped3A, %mul3A_2] : memref<4x4096xi32, #tpu.memory_space<hbm>> -> memref<1x128xi32, #tpu.memory_space<hbm>>
      %dma_start3A_57 = tpu.memref_squeeze %dma_start3A_56 : memref<1x128xi32, #tpu.memory_space<hbm>> -> memref<128xi32, #tpu.memory_space<hbm>>
      tpu.enqueue_dma source(%dma_start3A_57 : memref<128xi32, #tpu.memory_space<hbm>>) target(%dma_start3A_55 : memref<128xi32, #tpu.memory_space<vmem>>) target_semaphore(%run_scoped3A_47 : memref<!tpu.dma_semaphore, #tpu.memory_space<semaphore_mem>>)
      %dma_wait3A_58 = arith.constant 0 : i32
      %dma_wait3A_59 = tpu.memref_slice %arg6[%run_scoped3A_3, %dma_wait3A_58] : memref<4x128xi32, #tpu.memory_space<vmem>> -> memref<1x128xi32, #tpu.memory_space<vmem>>
      %dma_wait3A_60 = tpu.memref_squeeze %dma_wait3A_59 : memref<1x128xi32, #tpu.memory_space<vmem>> -> memref<128xi32, #tpu.memory_space<vmem>>
      %dma_wait3A_61 = tpu.memref_slice %arg2[%run_scoped3A, %mul3A_2] : memref<4x4096xi32, #tpu.memory_space<hbm>> -> memref<1x128xi32, #tpu.memory_space<hbm>>
      %dma_wait3A_62 = tpu.memref_squeeze %dma_wait3A_61 : memref<1x128xi32, #tpu.memory_space<hbm>> -> memref<128xi32, #tpu.memory_space<hbm>>
      %dma_wait3A_63 = arith.constant 0 : i32
      %dma_wait3A_64 = tpu.memref_slice %arg6[%run_scoped3A_3, %dma_wait3A_63] : memref<4x128xi32, #tpu.memory_space<vmem>> -> memref<1x128xi32, #tpu.memory_space<vmem>>
      %dma_wait3A_65 = tpu.memref_squeeze %dma_wait3A_64 : memref<1x128xi32, #tpu.memory_space<vmem>> -> memref<128xi32, #tpu.memory_space<vmem>>
      %dma_wait3A_66 = tpu.memref_slice %arg2[%run_scoped3A, %mul3A_2] : memref<4x4096xi32, #tpu.memory_space<hbm>> -> memref<1x128xi32, #tpu.memory_space<hbm>>
      %dma_wait3A_67 = tpu.memref_squeeze %dma_wait3A_66 : memref<1x128xi32, #tpu.memory_space<hbm>> -> memref<128xi32, #tpu.memory_space<hbm>>
      tpu.wait_dma2 semaphore(%run_scoped3A_47 : memref<!tpu.dma_semaphore, #tpu.memory_space<semaphore_mem>>) src(%dma_wait3A_67 : memref<128xi32, #tpu.memory_space<hbm>>) dst(%dma_wait3A_65 : memref<128xi32, #tpu.memory_space<vmem>>)
      tpu.yield
    }) : () -> ()
    %run_scoped3A_4 = arith.constant 1 : i32
    %run_scoped3A_5 = arith.constant 1 : i32
    "tpu.region"() ({
      %run_scoped3A_47 = tpu.sem_alloc : memref<!tpu.dma_semaphore, #tpu.memory_space<semaphore_mem>>
      %dma_start3A_48 = arith.constant 0 : i32
      %dma_start3A_49 = tpu.memref_slice %arg6[%run_scoped3A_5, %dma_start3A_48] : memref<4x128xi32, #tpu.memory_space<vmem>> -> memref<1x128xi32, #tpu.memory_space<vmem>>
      %dma_start3A_50 = tpu.memref_squeeze %dma_start3A_49 : memref<1x128xi32, #tpu.memory_space<vmem>> -> memref<128xi32, #tpu.memory_space<vmem>>
      %dma_start3A_51 = tpu.memref_slice %arg2[%run_scoped3A_4, %mul3A_2] : memref<4x4096xi32, #tpu.memory_space<hbm>> -> memref<1x128xi32, #tpu.memory_space<hbm>>
      %dma_start3A_52 = tpu.memref_squeeze %dma_start3A_51 : memref<1x128xi32, #tpu.memory_space<hbm>> -> memref<128xi32, #tpu.memory_space<hbm>>
      %dma_start3A_53 = arith.constant 0 : i32
      %dma_start3A_54 = tpu.memref_slice %arg6[%run_scoped3A_5, %dma_start3A_53] : memref<4x128xi32, #tpu.memory_space<vmem>> -> memref<1x128xi32, #tpu.memory_space<vmem>>
      %dma_start3A_55 = tpu.memref_squeeze %dma_start3A_54 : memref<1x128xi32, #tpu.memory_space<vmem>> -> memref<128xi32, #tpu.memory_space<vmem>>
      %dma_start3A_56 = tpu.memref_slice %arg2[%run_scoped3A_4, %mul3A_2] : memref<4x4096xi32, #tpu.memory_space<hbm>> -> memref<1x128xi32, #tpu.memory_space<hbm>>
      %dma_start3A_57 = tpu.memref_squeeze %dma_start3A_56 : memref<1x128xi32, #tpu.memory_space<hbm>> -> memref<128xi32, #tpu.memory_space<hbm>>
      tpu.enqueue_dma source(%dma_start3A_57 : memref<128xi32, #tpu.memory_space<hbm>>) target(%dma_start3A_55 : memref<128xi32, #tpu.memory_space<vmem>>) target_semaphore(%run_scoped3A_47 : memref<!tpu.dma_semaphore, #tpu.memory_space<semaphore_mem>>)
      %dma_wait3A_58 = arith.constant 0 : i32
      %dma_wait3A_59 = tpu.memref_slice %arg6[%run_scoped3A_5, %dma_wait3A_58] : memref<4x128xi32, #tpu.memory_space<vmem>> -> memref<1x128xi32, #tpu.memory_space<vmem>>
      %dma_wait3A_60 = tpu.memref_squeeze %dma_wait3A_59 : memref<1x128xi32, #tpu.memory_space<vmem>> -> memref<128xi32, #tpu.memory_space<vmem>>
      %dma_wait3A_61 = tpu.memref_slice %arg2[%run_scoped3A_4, %mul3A_2] : memref<4x4096xi32, #tpu.memory_space<hbm>> -> memref<1x128xi32, #tpu.memory_space<hbm>>
      %dma_wait3A_62 = tpu.memref_squeeze %dma_wait3A_61 : memref<1x128xi32, #tpu.memory_space<hbm>> -> memref<128xi32, #tpu.memory_space<hbm>>
      %dma_wait3A_63 = arith.constant 0 : i32
      %dma_wait3A_64 = tpu.memref_slice %arg6[%run_scoped3A_5, %dma_wait3A_63] : memref<4x128xi32, #tpu.memory_space<vmem>> -> memref<1x128xi32, #tpu.memory_space<vmem>>
      %dma_wait3A_65 = tpu.memref_squeeze %dma_wait3A_64 : memref<1x128xi32, #tpu.memory_space<vmem>> -> memref<128xi32, #tpu.memory_space<vmem>>
      %dma_wait3A_66 = tpu.memref_slice %arg2[%run_scoped3A_4, %mul3A_2] : memref<4x4096xi32, #tpu.memory_space<hbm>> -> memref<1x128xi32, #tpu.memory_space<hbm>>
      %dma_wait3A_67 = tpu.memref_squeeze %dma_wait3A_66 : memref<1x128xi32, #tpu.memory_space<hbm>> -> memref<128xi32, #tpu.memory_space<hbm>>
      tpu.wait_dma2 semaphore(%run_scoped3A_47 : memref<!tpu.dma_semaphore, #tpu.memory_space<semaphore_mem>>) src(%dma_wait3A_67 : memref<128xi32, #tpu.memory_space<hbm>>) dst(%dma_wait3A_65 : memref<128xi32, #tpu.memory_space<vmem>>)
      tpu.yield
    }) : () -> ()
    %run_scoped3A_6 = arith.constant 2 : i32
    %run_scoped3A_7 = arith.constant 2 : i32
    "tpu.region"() ({
      %run_scoped3A_47 = tpu.sem_alloc : memref<!tpu.dma_semaphore, #tpu.memory_space<semaphore_mem>>
      %dma_start3A_48 = arith.constant 0 : i32
      %dma_start3A_49 = tpu.memref_slice %arg6[%run_scoped3A_7, %dma_start3A_48] : memref<4x128xi32, #tpu.memory_space<vmem>> -> memref<1x128xi32, #tpu.memory_space<vmem>>
      %dma_start3A_50 = tpu.memref_squeeze %dma_start3A_49 : memref<1x128xi32, #tpu.memory_space<vmem>> -> memref<128xi32, #tpu.memory_space<vmem>>
      %dma_start3A_51 = tpu.memref_slice %arg2[%run_scoped3A_6, %mul3A_2] : memref<4x4096xi32, #tpu.memory_space<hbm>> -> memref<1x128xi32, #tpu.memory_space<hbm>>
      %dma_start3A_52 = tpu.memref_squeeze %dma_start3A_51 : memref<1x128xi32, #tpu.memory_space<hbm>> -> memref<128xi32, #tpu.memory_space<hbm>>
      %dma_start3A_53 = arith.constant 0 : i32
      %dma_start3A_54 = tpu.memref_slice %arg6[%run_scoped3A_7, %dma_start3A_53] : memref<4x128xi32, #tpu.memory_space<vmem>> -> memref<1x128xi32, #tpu.memory_space<vmem>>
      %dma_start3A_55 = tpu.memref_squeeze %dma_start3A_54 : memref<1x128xi32, #tpu.memory_space<vmem>> -> memref<128xi32, #tpu.memory_space<vmem>>
      %dma_start3A_56 = tpu.memref_slice %arg2[%run_scoped3A_6, %mul3A_2] : memref<4x4096xi32, #tpu.memory_space<hbm>> -> memref<1x128xi32, #tpu.memory_space<hbm>>
      %dma_start3A_57 = tpu.memref_squeeze %dma_start3A_56 : memref<1x128xi32, #tpu.memory_space<hbm>> -> memref<128xi32, #tpu.memory_space<hbm>>
      tpu.enqueue_dma source(%dma_start3A_57 : memref<128xi32, #tpu.memory_space<hbm>>) target(%dma_start3A_55 : memref<128xi32, #tpu.memory_space<vmem>>) target_semaphore(%run_scoped3A_47 : memref<!tpu.dma_semaphore, #tpu.memory_space<semaphore_mem>>)
      %dma_wait3A_58 = arith.constant 0 : i32
      %dma_wait3A_59 = tpu.memref_slice %arg6[%run_scoped3A_7, %dma_wait3A_58] : memref<4x128xi32, #tpu.memory_space<vmem>> -> memref<1x128xi32, #tpu.memory_space<vmem>>
      %dma_wait3A_60 = tpu.memref_squeeze %dma_wait3A_59 : memref<1x128xi32, #tpu.memory_space<vmem>> -> memref<128xi32, #tpu.memory_space<vmem>>
      %dma_wait3A_61 = tpu.memref_slice %arg2[%run_scoped3A_6, %mul3A_2] : memref<4x4096xi32, #tpu.memory_space<hbm>> -> memref<1x128xi32, #tpu.memory_space<hbm>>
      %dma_wait3A_62 = tpu.memref_squeeze %dma_wait3A_61 : memref<1x128xi32, #tpu.memory_space<hbm>> -> memref<128xi32, #tpu.memory_space<hbm>>
      %dma_wait3A_63 = arith.constant 0 : i32
      %dma_wait3A_64 = tpu.memref_slice %arg6[%run_scoped3A_7, %dma_wait3A_63] : memref<4x128xi32, #tpu.memory_space<vmem>> -> memref<1x128xi32, #tpu.memory_space<vmem>>
      %dma_wait3A_65 = tpu.memref_squeeze %dma_wait3A_64 : memref<1x128xi32, #tpu.memory_space<vmem>> -> memref<128xi32, #tpu.memory_space<vmem>>
      %dma_wait3A_66 = tpu.memref_slice %arg2[%run_scoped3A_6, %mul3A_2] : memref<4x4096xi32, #tpu.memory_space<hbm>> -> memref<1x128xi32, #tpu.memory_space<hbm>>
      %dma_wait3A_67 = tpu.memref_squeeze %dma_wait3A_66 : memref<1x128xi32, #tpu.memory_space<hbm>> -> memref<128xi32, #tpu.memory_space<hbm>>
      tpu.wait_dma2 semaphore(%run_scoped3A_47 : memref<!tpu.dma_semaphore, #tpu.memory_space<semaphore_mem>>) src(%dma_wait3A_67 : memref<128xi32, #tpu.memory_space<hbm>>) dst(%dma_wait3A_65 : memref<128xi32, #tpu.memory_space<vmem>>)
      tpu.yield
    }) : () -> ()
    %run_scoped3A_8 = arith.constant 3 : i32
    %run_scoped3A_9 = arith.constant 3 : i32
    "tpu.region"() ({
      %run_scoped3A_47 = tpu.sem_alloc : memref<!tpu.dma_semaphore, #tpu.memory_space<semaphore_mem>>
      %dma_start3A_48 = arith.constant 0 : i32
      %dma_start3A_49 = tpu.memref_slice %arg6[%run_scoped3A_9, %dma_start3A_48] : memref<4x128xi32, #tpu.memory_space<vmem>> -> memref<1x128xi32, #tpu.memory_space<vmem>>
      %dma_start3A_50 = tpu.memref_squeeze %dma_start3A_49 : memref<1x128xi32, #tpu.memory_space<vmem>> -> memref<128xi32, #tpu.memory_space<vmem>>
      %dma_start3A_51 = tpu.memref_slice %arg2[%run_scoped3A_8, %mul3A_2] : memref<4x4096xi32, #tpu.memory_space<hbm>> -> memref<1x128xi32, #tpu.memory_space<hbm>>
      %dma_start3A_52 = tpu.memref_squeeze %dma_start3A_51 : memref<1x128xi32, #tpu.memory_space<hbm>> -> memref<128xi32, #tpu.memory_space<hbm>>
      %dma_start3A_53 = arith.constant 0 : i32
      %dma_start3A_54 = tpu.memref_slice %arg6[%run_scoped3A_9, %dma_start3A_53] : memref<4x128xi32, #tpu.memory_space<vmem>> -> memref<1x128xi32, #tpu.memory_space<vmem>>
      %dma_start3A_55 = tpu.memref_squeeze %dma_start3A_54 : memref<1x128xi32, #tpu.memory_space<vmem>> -> memref<128xi32, #tpu.memory_space<vmem>>
      %dma_start3A_56 = tpu.memref_slice %arg2[%run_scoped3A_8, %mul3A_2] : memref<4x4096xi32, #tpu.memory_space<hbm>> -> memref<1x128xi32, #tpu.memory_space<hbm>>
      %dma_start3A_57 = tpu.memref_squeeze %dma_start3A_56 : memref<1x128xi32, #tpu.memory_space<hbm>> -> memref<128xi32, #tpu.memory_space<hbm>>
      tpu.enqueue_dma source(%dma_start3A_57 : memref<128xi32, #tpu.memory_space<hbm>>) target(%dma_start3A_55 : memref<128xi32, #tpu.memory_space<vmem>>) target_semaphore(%run_scoped3A_47 : memref<!tpu.dma_semaphore, #tpu.memory_space<semaphore_mem>>)
      %dma_wait3A_58 = arith.constant 0 : i32
      %dma_wait3A_59 = tpu.memref_slice %arg6[%run_scoped3A_9, %dma_wait3A_58] : memref<4x128xi32, #tpu.memory_space<vmem>> -> memref<1x128xi32, #tpu.memory_space<vmem>>
      %dma_wait3A_60 = tpu.memref_squeeze %dma_wait3A_59 : memref<1x128xi32, #tpu.memory_space<vmem>> -> memref<128xi32, #tpu.memory_space<vmem>>
      %dma_wait3A_61 = tpu.memref_slice %arg2[%run_scoped3A_8, %mul3A_2] : memref<4x4096xi32, #tpu.memory_space<hbm>> -> memref<1x128xi32, #tpu.memory_space<hbm>>
      %dma_wait3A_62 = tpu.memref_squeeze %dma_wait3A_61 : memref<1x128xi32, #tpu.memory_space<hbm>> -> memref<128xi32, #tpu.memory_space<hbm>>
      %dma_wait3A_63 = arith.constant 0 : i32
      %dma_wait3A_64 = tpu.memref_slice %arg6[%run_scoped3A_9, %dma_wait3A_63] : memref<4x128xi32, #tpu.memory_space<vmem>> -> memref<1x128xi32, #tpu.memory_space<vmem>>
      %dma_wait3A_65 = tpu.memref_squeeze %dma_wait3A_64 : memref<1x128xi32, #tpu.memory_space<vmem>> -> memref<128xi32, #tpu.memory_space<vmem>>
      %dma_wait3A_66 = tpu.memref_slice %arg2[%run_scoped3A_8, %mul3A_2] : memref<4x4096xi32, #tpu.memory_space<hbm>> -> memref<1x128xi32, #tpu.memory_space<hbm>>
      %dma_wait3A_67 = tpu.memref_squeeze %dma_wait3A_66 : memref<1x128xi32, #tpu.memory_space<hbm>> -> memref<128xi32, #tpu.memory_space<hbm>>
      tpu.wait_dma2 semaphore(%run_scoped3A_47 : memref<!tpu.dma_semaphore, #tpu.memory_space<semaphore_mem>>) src(%dma_wait3A_67 : memref<128xi32, #tpu.memory_space<hbm>>) dst(%dma_wait3A_65 : memref<128xi32, #tpu.memory_space<vmem>>)
      tpu.yield
    }) : () -> ()
    %add3A_10 = arith.constant 0 : i32
    %add3A_11 = arith.addi %mul3A_2, %add3A_10 : i32
    %dma_start3A = arith.constant 0 : i32
    %dma_start3A_12 = tpu.memref_slice %arg3[%add3A_11, %dma_start3A] : memref<5000x1024xf32, #tpu.memory_space<hbm>> -> memref<16x1024xf32, #tpu.memory_space<hbm>>
    %dma_start3A_13 = arith.constant 0 : i32
    %dma_start3A_14 = tpu.memref_slice %arg3[%add3A_11, %dma_start3A_13] : memref<5000x1024xf32, #tpu.memory_space<hbm>> -> memref<16x1024xf32, #tpu.memory_space<hbm>>
    tpu.enqueue_dma source(%dma_start3A_14 : memref<16x1024xf32, #tpu.memory_space<hbm>>) target(%arg11 : memref<16x1024xf32, #tpu.memory_space<vmem>>) target_semaphore(%arg21 : memref<!tpu.dma_semaphore, #tpu.memory_space<semaphore_mem>>)
    %dma_start3A_15 = arith.constant 0 : i32
    %dma_start3A_16 = arith.constant 0 : i32
    %dma_start3A_17 = tpu.memref_slice %arg6[%dma_start3A_15, %dma_start3A_16] : memref<4x128xi32, #tpu.memory_space<vmem>> -> memref<1x16xi32, #tpu.memory_space<vmem>>
    %dma_start3A_18 = tpu.memref_squeeze %dma_start3A_17 : memref<1x16xi32, #tpu.memory_space<vmem>> -> memref<16xi32, #tpu.memory_space<vmem>>
    %dma_start3A_19 = arith.constant 0 : i32
    %dma_start3A_20 = arith.constant 0 : i32
    %dma_start3A_21 = tpu.memref_slice %arg4[%dma_start3A_19, %dma_start3A_20] : memref<50257x1024xf32, #tpu.memory_space<hbm>> -> memref<50257x1024xf32, #tpu.memory_space<hbm>>
    tpu.enqueue_indirect_dma source(%dma_start3A_21 : memref<50257x1024xf32, #tpu.memory_space<hbm>>) target(%arg7 : memref<16x1024xf32, #tpu.memory_space<vmem>>) offsets(%dma_start3A_18 : memref<16xi32, #tpu.memory_space<vmem>>) semaphore(%arg13 : memref<!tpu.dma_semaphore, #tpu.memory_space<semaphore_mem>>)
    %dma_start3A_22 = arith.constant 1 : i32
    %dma_start3A_23 = arith.constant 0 : i32
    %dma_start3A_24 = tpu.memref_slice %arg6[%dma_start3A_22, %dma_start3A_23] : memref<4x128xi32, #tpu.memory_space<vmem>> -> memref<1x16xi32, #tpu.memory_space<vmem>>
    %dma_start3A_25 = tpu.memref_squeeze %dma_start3A_24 : memref<1x16xi32, #tpu.memory_space<vmem>> -> memref<16xi32, #tpu.memory_space<vmem>>
    %dma_start3A_26 = arith.constant 0 : i32
    %dma_start3A_27 = arith.constant 0 : i32
    %dma_start3A_28 = tpu.memref_slice %arg4[%dma_start3A_26, %dma_start3A_27] : memref<50257x1024xf32, #tpu.memory_space<hbm>> -> memref<50257x1024xf32, #tpu.memory_space<hbm>>
    tpu.enqueue_indirect_dma source(%dma_start3A_28 : memref<50257x1024xf32, #tpu.memory_space<hbm>>) target(%arg8 : memref<16x1024xf32, #tpu.memory_space<vmem>>) offsets(%dma_start3A_25 : memref<16xi32, #tpu.memory_space<vmem>>) semaphore(%arg14 : memref<!tpu.dma_semaphore, #tpu.memory_space<semaphore_mem>>)
    %scan3A = arith.constant 0 : i32
    %scan3A_29 = arith.constant 0 : i32
    %scan3A_30 = arith.constant 4 : i32
    %scan3A_31 = arith.addi %scan3A_29, %scan3A_30 : i32
    %scan3A_32 = arith.constant 1 : i32
    scf.for %scan3A_47 = %scan3A_29 to %scan3A_31 step %scan3A_32  : i32 {
      %mul3A_48 = arith.constant 2 : i32
      %mul3A_49 = arith.muli %mul3A_48, %scan3A_47 : i32
      %add3A_50 = arith.constant 0 : i32
      %add3A_51 = arith.addi %mul3A_49, %add3A_50 : i32
      %mul3A_52 = arith.constant 16 : i32
      %mul3A_53 = arith.muli %add3A_51, %mul3A_52 : i32
      %add3A_54 = arith.addi %mul3A_2, %mul3A_53 : i32
      %dma_wait3A_55 = arith.constant 0 : i32
      %dma_wait3A_56 = tpu.memref_slice %arg3[%add3A_54, %dma_wait3A_55] : memref<5000x1024xf32, #tpu.memory_space<hbm>> -> memref<16x1024xf32, #tpu.memory_space<hbm>>
      %dma_wait3A_57 = arith.constant 0 : i32
      %dma_wait3A_58 = tpu.memref_slice %arg3[%add3A_54, %dma_wait3A_57] : memref<5000x1024xf32, #tpu.memory_space<hbm>> -> memref<16x1024xf32, #tpu.memory_space<hbm>>
      tpu.wait_dma2 semaphore(%arg21 : memref<!tpu.dma_semaphore, #tpu.memory_space<semaphore_mem>>) src(%dma_wait3A_58 : memref<16x1024xf32, #tpu.memory_space<hbm>>) dst(%arg11 : memref<16x1024xf32, #tpu.memory_space<vmem>>)
      %add3A_59 = arith.constant 1 : i32
      %add3A_60 = arith.addi %add3A_51, %add3A_59 : i32
      %mul3A_61 = arith.constant 16 : i32
      %mul3A_62 = arith.muli %add3A_60, %mul3A_61 : i32
      %add3A_63 = arith.addi %mul3A_2, %mul3A_62 : i32
      %dma_start3A_64 = arith.constant 0 : i32
      %dma_start3A_65 = tpu.memref_slice %arg3[%add3A_63, %dma_start3A_64] : memref<5000x1024xf32, #tpu.memory_space<hbm>> -> memref<16x1024xf32, #tpu.memory_space<hbm>>
      %dma_start3A_66 = arith.constant 0 : i32
      %dma_start3A_67 = tpu.memref_slice %arg3[%add3A_63, %dma_start3A_66] : memref<5000x1024xf32, #tpu.memory_space<hbm>> -> memref<16x1024xf32, #tpu.memory_space<hbm>>
      tpu.enqueue_dma source(%dma_start3A_67 : memref<16x1024xf32, #tpu.memory_space<hbm>>) target(%arg12 : memref<16x1024xf32, #tpu.memory_space<vmem>>) target_semaphore(%arg22 : memref<!tpu.dma_semaphore, #tpu.memory_space<semaphore_mem>>)
      %mul3A_68 = arith.constant 16 : i32
      %mul3A_69 = arith.muli %add3A_51, %mul3A_68 : i32
      %dma_wait3A_70 = arith.constant 0 : i32
      %dma_wait3A_71 = tpu.memref_slice %arg6[%dma_wait3A_70, %mul3A_69] : memref<4x128xi32, #tpu.memory_space<vmem>> -> memref<1x16xi32, #tpu.memory_space<vmem>>
      %dma_wait3A_72 = tpu.memref_squeeze %dma_wait3A_71 : memref<1x16xi32, #tpu.memory_space<vmem>> -> memref<16xi32, #tpu.memory_space<vmem>>
      %dma_wait3A_73 = arith.constant 0 : i32
      %dma_wait3A_74 = arith.constant 0 : i32
      %dma_wait3A_75 = tpu.memref_slice %arg4[%dma_wait3A_73, %dma_wait3A_74] : memref<50257x1024xf32, #tpu.memory_space<hbm>> -> memref<50257x1024xf32, #tpu.memory_space<hbm>>
      tpu.wait_indirect_dma semaphore(%arg13 : memref<!tpu.dma_semaphore, #tpu.memory_space<semaphore_mem>>) src(%dma_wait3A_75 : memref<50257x1024xf32, #tpu.memory_space<hbm>>) dst(%arg7 : memref<16x1024xf32, #tpu.memory_space<vmem>>)
      %gt3A = arith.constant 0 : i32
      %gt3A_76 = arith.cmpi sgt, %scan3A_47, %gt3A : i32
      %convert_element_type3A = arith.extui %gt3A_76 : i1 to i32
      %cond3A = arith.constant 0 : i32
      %cond3A_77 = arith.cmpi ne, %convert_element_type3A, %cond3A : i32
      scf.if %cond3A_77 {
        %dma_wait3A_386 = arith.constant 0 : i32
        %dma_wait3A_387 = arith.constant 0 : i32
        %dma_wait3A_388 = tpu.memref_slice %arg5[%dma_wait3A_386, %mul3A_2, %dma_wait3A_387] : memref<4x4096x1024xf32, #tpu.memory_space<hbm>> -> memref<1x16x1024xf32, #tpu.memory_space<hbm>>
        %dma_wait3A_389 = tpu.memref_squeeze %dma_wait3A_388 : memref<1x16x1024xf32, #tpu.memory_space<hbm>> -> memref<16x1024xf32, #tpu.memory_space<hbm>>
        %dma_wait3A_390 = arith.constant 0 : i32
        %dma_wait3A_391 = tpu.memref_slice %arg5[%dma_wait3A_386, %mul3A_2, %dma_wait3A_390] : memref<4x4096x1024xf32, #tpu.memory_space<hbm>> -> memref<1x16x1024xf32, #tpu.memory_space<hbm>>
        %dma_wait3A_392 = tpu.memref_squeeze %dma_wait3A_391 : memref<1x16x1024xf32, #tpu.memory_space<hbm>> -> memref<16x1024xf32, #tpu.memory_space<hbm>>
        tpu.wait_dma2 semaphore(%arg19 : memref<!tpu.dma_semaphore, #tpu.memory_space<semaphore_mem>>) src(%arg9 : memref<16x1024xf32, #tpu.memory_space<vmem>>) dst(%dma_wait3A_392 : memref<16x1024xf32, #tpu.memory_space<hbm>>)
      } else {
      }
      %mul3A_78 = arith.constant 16 : i32
      %mul3A_79 = arith.muli %add3A_51, %mul3A_78 : i32
      %dma_start3A_80 = arith.constant 2 : i32
      %dma_start3A_81 = tpu.memref_slice %arg6[%dma_start3A_80, %mul3A_79] : memref<4x128xi32, #tpu.memory_space<vmem>> -> memref<1x16xi32, #tpu.memory_space<vmem>>
      %dma_start3A_82 = tpu.memref_squeeze %dma_start3A_81 : memref<1x16xi32, #tpu.memory_space<vmem>> -> memref<16xi32, #tpu.memory_space<vmem>>
      %dma_start3A_83 = arith.constant 0 : i32
      %dma_start3A_84 = arith.constant 0 : i32
      %dma_start3A_85 = tpu.memref_slice %arg4[%dma_start3A_83, %dma_start3A_84] : memref<50257x1024xf32, #tpu.memory_space<hbm>> -> memref<50257x1024xf32, #tpu.memory_space<hbm>>
      tpu.enqueue_indirect_dma source(%dma_start3A_85 : memref<50257x1024xf32, #tpu.memory_space<hbm>>) target(%arg9 : memref<16x1024xf32, #tpu.memory_space<vmem>>) offsets(%dma_start3A_82 : memref<16xi32, #tpu.memory_space<vmem>>) semaphore(%arg15 : memref<!tpu.dma_semaphore, #tpu.memory_space<semaphore_mem>>)
      %scan3A_86 = arith.constant 0 : i32
      %scan3A_87 = arith.constant 0 : i32
      %scan3A_88 = arith.constant 16 : i32
      %scan3A_89 = arith.addi %scan3A_87, %scan3A_88 : i32
      %scan3A_90 = arith.constant 1 : i32
      scf.for %scan3A_386 = %scan3A_87 to %scan3A_89 step %scan3A_90  : i32 {
        %scan3A_387 = arith.constant 0 : i32
        %scan3A_388 = arith.constant 64 : i32
        %scan3A_389 = arith.addi %scan3A_387, %scan3A_388 : i32
        %scan3A_390 = arith.constant 4 : i32
        scf.for %scan3A_392 = %scan3A_387 to %scan3A_389 step %scan3A_390  : i32 {
          %mul3A_393 = arith.constant 16 : i32
          %mul3A_394 = arith.muli %scan3A_392, %mul3A_393 : i32
          %get3A = arith.index_cast %scan3A_386 : i32 to index
          %get3A_395 = arith.index_cast %mul3A_394 : i32 to index
          %get3A_396 = tpu.vector_load %arg7[%get3A, %get3A_395] {strides = array<i32>} : memref<16x1024xf32, #tpu.memory_space<vmem>>, vector<1x16xf32>,
          %get3A_397 = vector.shape_cast %get3A_396 : vector<1x16xf32> to vector<16xf32>
          %get3A_398 = arith.index_cast %scan3A_386 : i32 to index
          %get3A_399 = arith.index_cast %mul3A_394 : i32 to index
          %get3A_400 = tpu.vector_load %arg11[%get3A_398, %get3A_399] {strides = array<i32>} : memref<16x1024xf32, #tpu.memory_space<vmem>>, vector<1x16xf32>,
          %get3A_401 = vector.shape_cast %get3A_400 : vector<1x16xf32> to vector<16xf32>
          %add3A_402 = arith.addf %get3A_397, %get3A_401 : vector<16xf32>
          %swap3A = arith.index_cast %scan3A_386 : i32 to index
          %swap3A_403 = arith.index_cast %mul3A_394 : i32 to index
          %swap3A_404 = tpu.vector_load %arg7[%swap3A, %swap3A_403] {strides = array<i32>} : memref<16x1024xf32, #tpu.memory_space<vmem>>, vector<1x16xf32>,
          %swap3A_405 = vector.shape_cast %swap3A_404 : vector<1x16xf32> to vector<16xf32>
          %swap3A_406 = vector.shape_cast %add3A_402 : vector<16xf32> to vector<1x16xf32>
          tpu.vector_store %arg7[%swap3A, %swap3A_403], %swap3A_406 {strides = array<i32>} : memref<16x1024xf32, #tpu.memory_space<vmem>>, vector<1x16xf32>,
          %scan3A_407 = arith.constant 1 : i32
          %scan3A_408 = arith.addi %scan3A_392, %scan3A_407 : i32
          %mul3A_409 = arith.constant 16 : i32
          %mul3A_410 = arith.muli %scan3A_408, %mul3A_409 : i32
          %get3A_411 = arith.index_cast %scan3A_386 : i32 to index
          %get3A_412 = arith.index_cast %mul3A_410 : i32 to index
          %get3A_413 = tpu.vector_load %arg7[%get3A_411, %get3A_412] {strides = array<i32>} : memref<16x1024xf32, #tpu.memory_space<vmem>>, vector<1x16xf32>,
          %get3A_414 = vector.shape_cast %get3A_413 : vector<1x16xf32> to vector<16xf32>
          %get3A_415 = arith.index_cast %scan3A_386 : i32 to index
          %get3A_416 = arith.index_cast %mul3A_410 : i32 to index
          %get3A_417 = tpu.vector_load %arg11[%get3A_415, %get3A_416] {strides = array<i32>} : memref<16x1024xf32, #tpu.memory_space<vmem>>, vector<1x16xf32>,
          %get3A_418 = vector.shape_cast %get3A_417 : vector<1x16xf32> to vector<16xf32>
          %add3A_419 = arith.addf %get3A_414, %get3A_418 : vector<16xf32>
          %swap3A_420 = arith.index_cast %scan3A_386 : i32 to index
          %swap3A_421 = arith.index_cast %mul3A_410 : i32 to index
          %swap3A_422 = tpu.vector_load %arg7[%swap3A_420, %swap3A_421] {strides = array<i32>} : memref<16x1024xf32, #tpu.memory_space<vmem>>, vector<1x16xf32>,
          %swap3A_423 = vector.shape_cast %swap3A_422 : vector<1x16xf32> to vector<16xf32>
          %swap3A_424 = vector.shape_cast %add3A_419 : vector<16xf32> to vector<1x16xf32>
          tpu.vector_store %arg7[%swap3A_420, %swap3A_421], %swap3A_424 {strides = array<i32>} : memref<16x1024xf32, #tpu.memory_space<vmem>>, vector<1x16xf32>,
          %scan3A_425 = arith.constant 2 : i32
          %scan3A_426 = arith.addi %scan3A_392, %scan3A_425 : i32
          %mul3A_427 = arith.constant 16 : i32
          %mul3A_428 = arith.muli %scan3A_426, %mul3A_427 : i32
          %get3A_429 = arith.index_cast %scan3A_386 : i32 to index
          %get3A_430 = arith.index_cast %mul3A_428 : i32 to index
          %get3A_431 = tpu.vector_load %arg7[%get3A_429, %get3A_430] {strides = array<i32>} : memref<16x1024xf32, #tpu.memory_space<vmem>>, vector<1x16xf32>,
          %get3A_432 = vector.shape_cast %get3A_431 : vector<1x16xf32> to vector<16xf32>
          %get3A_433 = arith.index_cast %scan3A_386 : i32 to index
          %get3A_434 = arith.index_cast %mul3A_428 : i32 to index
          %get3A_435 = tpu.vector_load %arg11[%get3A_433, %get3A_434] {strides = array<i32>} : memref<16x1024xf32, #tpu.memory_space<vmem>>, vector<1x16xf32>,
          %get3A_436 = vector.shape_cast %get3A_435 : vector<1x16xf32> to vector<16xf32>
          %add3A_437 = arith.addf %get3A_432, %get3A_436 : vector<16xf32>
          %swap3A_438 = arith.index_cast %scan3A_386 : i32 to index
          %swap3A_439 = arith.index_cast %mul3A_428 : i32 to index
          %swap3A_440 = tpu.vector_load %arg7[%swap3A_438, %swap3A_439] {strides = array<i32>} : memref<16x1024xf32, #tpu.memory_space<vmem>>, vector<1x16xf32>,
          %swap3A_441 = vector.shape_cast %swap3A_440 : vector<1x16xf32> to vector<16xf32>
          %swap3A_442 = vector.shape_cast %add3A_437 : vector<16xf32> to vector<1x16xf32>
          tpu.vector_store %arg7[%swap3A_438, %swap3A_439], %swap3A_442 {strides = array<i32>} : memref<16x1024xf32, #tpu.memory_space<vmem>>, vector<1x16xf32>,
          %scan3A_443 = arith.constant 3 : i32
          %scan3A_444 = arith.addi %scan3A_392, %scan3A_443 : i32
          %mul3A_445 = arith.constant 16 : i32
          %mul3A_446 = arith.muli %scan3A_444, %mul3A_445 : i32
          %get3A_447 = arith.index_cast %scan3A_386 : i32 to index
          %get3A_448 = arith.index_cast %mul3A_446 : i32 to index
          %get3A_449 = tpu.vector_load %arg7[%get3A_447, %get3A_448] {strides = array<i32>} : memref<16x1024xf32, #tpu.memory_space<vmem>>, vector<1x16xf32>,
          %get3A_450 = vector.shape_cast %get3A_449 : vector<1x16xf32> to vector<16xf32>
          %get3A_451 = arith.index_cast %scan3A_386 : i32 to index
          %get3A_452 = arith.index_cast %mul3A_446 : i32 to index
          %get3A_453 = tpu.vector_load %arg11[%get3A_451, %get3A_452] {strides = array<i32>} : memref<16x1024xf32, #tpu.memory_space<vmem>>, vector<1x16xf32>,
          %get3A_454 = vector.shape_cast %get3A_453 : vector<1x16xf32> to vector<16xf32>
          %add3A_455 = arith.addf %get3A_450, %get3A_454 : vector<16xf32>
          %swap3A_456 = arith.index_cast %scan3A_386 : i32 to index
          %swap3A_457 = arith.index_cast %mul3A_446 : i32 to index
          %swap3A_458 = tpu.vector_load %arg7[%swap3A_456, %swap3A_457] {strides = array<i32>} : memref<16x1024xf32, #tpu.memory_space<vmem>>, vector<1x16xf32>,
          %swap3A_459 = vector.shape_cast %swap3A_458 : vector<1x16xf32> to vector<16xf32>
          %swap3A_460 = vector.shape_cast %add3A_455 : vector<16xf32> to vector<1x16xf32>
          tpu.vector_store %arg7[%swap3A_456, %swap3A_457], %swap3A_460 {strides = array<i32>} : memref<16x1024xf32, #tpu.memory_space<vmem>>, vector<1x16xf32>,
        }
        %scan3A_391 = arith.constant 64 : i32
      }
      %scan3A_91 = arith.constant 16 : i32
      %mul3A_92 = arith.constant 16 : i32
      %mul3A_93 = arith.muli %add3A_51, %mul3A_92 : i32
      %add3A_94 = arith.addi %mul3A_2, %mul3A_93 : i32
      %dma_start3A_95 = arith.constant 0 : i32
      %dma_start3A_96 = arith.constant 0 : i32
      %dma_start3A_97 = tpu.memref_slice %arg5[%dma_start3A_95, %add3A_94, %dma_start3A_96] : memref<4x4096x1024xf32, #tpu.memory_space<hbm>> -> memref<1x16x1024xf32, #tpu.memory_space<hbm>>
      %dma_start3A_98 = tpu.memref_squeeze %dma_start3A_97 : memref<1x16x1024xf32, #tpu.memory_space<hbm>> -> memref<16x1024xf32, #tpu.memory_space<hbm>>
      %dma_start3A_99 = arith.constant 0 : i32
      %dma_start3A_100 = tpu.memref_slice %arg5[%dma_start3A_95, %add3A_94, %dma_start3A_99] : memref<4x4096x1024xf32, #tpu.memory_space<hbm>> -> memref<1x16x1024xf32, #tpu.memory_space<hbm>>
      %dma_start3A_101 = tpu.memref_squeeze %dma_start3A_100 : memref<1x16x1024xf32, #tpu.memory_space<hbm>> -> memref<16x1024xf32, #tpu.memory_space<hbm>>
      tpu.enqueue_dma source(%arg7 : memref<16x1024xf32, #tpu.memory_space<vmem>>) target(%dma_start3A_101 : memref<16x1024xf32, #tpu.memory_space<hbm>>) target_semaphore(%arg17 : memref<!tpu.dma_semaphore, #tpu.memory_space<semaphore_mem>>)
      %mul3A_102 = arith.constant 16 : i32
      %mul3A_103 = arith.muli %add3A_51, %mul3A_102 : i32
      %dma_wait3A_104 = arith.constant 1 : i32
      %dma_wait3A_105 = tpu.memref_slice %arg6[%dma_wait3A_104, %mul3A_103] : memref<4x128xi32, #tpu.memory_space<vmem>> -> memref<1x16xi32, #tpu.memory_space<vmem>>
      %dma_wait3A_106 = tpu.memref_squeeze %dma_wait3A_105 : memref<1x16xi32, #tpu.memory_space<vmem>> -> memref<16xi32, #tpu.memory_space<vmem>>
      %dma_wait3A_107 = arith.constant 0 : i32
      %dma_wait3A_108 = arith.constant 0 : i32
      %dma_wait3A_109 = tpu.memref_slice %arg4[%dma_wait3A_107, %dma_wait3A_108] : memref<50257x1024xf32, #tpu.memory_space<hbm>> -> memref<50257x1024xf32, #tpu.memory_space<hbm>>
      tpu.wait_indirect_dma semaphore(%arg14 : memref<!tpu.dma_semaphore, #tpu.memory_space<semaphore_mem>>) src(%dma_wait3A_109 : memref<50257x1024xf32, #tpu.memory_space<hbm>>) dst(%arg8 : memref<16x1024xf32, #tpu.memory_space<vmem>>)
      %gt3A_110 = arith.constant 0 : i32
      %gt3A_111 = arith.cmpi sgt, %scan3A_47, %gt3A_110 : i32
      %convert_element_type3A_112 = arith.extui %gt3A_111 : i1 to i32
      %cond3A_113 = arith.constant 0 : i32
      %cond3A_114 = arith.cmpi ne, %convert_element_type3A_112, %cond3A_113 : i32
      scf.if %cond3A_114 {
        %dma_wait3A_386 = arith.constant 0 : i32
        %dma_wait3A_387 = arith.constant 0 : i32
        %dma_wait3A_388 = tpu.memref_slice %arg5[%dma_wait3A_386, %mul3A_2, %dma_wait3A_387] : memref<4x4096x1024xf32, #tpu.memory_space<hbm>> -> memref<1x16x1024xf32, #tpu.memory_space<hbm>>
        %dma_wait3A_389 = tpu.memref_squeeze %dma_wait3A_388 : memref<1x16x1024xf32, #tpu.memory_space<hbm>> -> memref<16x1024xf32, #tpu.memory_space<hbm>>
        %dma_wait3A_390 = arith.constant 0 : i32
        %dma_wait3A_391 = tpu.memref_slice %arg5[%dma_wait3A_386, %mul3A_2, %dma_wait3A_390] : memref<4x4096x1024xf32, #tpu.memory_space<hbm>> -> memref<1x16x1024xf32, #tpu.memory_space<hbm>>
        %dma_wait3A_392 = tpu.memref_squeeze %dma_wait3A_391 : memref<1x16x1024xf32, #tpu.memory_space<hbm>> -> memref<16x1024xf32, #tpu.memory_space<hbm>>
        tpu.wait_dma2 semaphore(%arg20 : memref<!tpu.dma_semaphore, #tpu.memory_space<semaphore_mem>>) src(%arg10 : memref<16x1024xf32, #tpu.memory_space<vmem>>) dst(%dma_wait3A_392 : memref<16x1024xf32, #tpu.memory_space<hbm>>)
      } else {
      }
      %mul3A_115 = arith.constant 16 : i32
      %mul3A_116 = arith.muli %add3A_51, %mul3A_115 : i32
      %dma_start3A_117 = arith.constant 3 : i32
      %dma_start3A_118 = tpu.memref_slice %arg6[%dma_start3A_117, %mul3A_116] : memref<4x128xi32, #tpu.memory_space<vmem>> -> memref<1x16xi32, #tpu.memory_space<vmem>>
      %dma_start3A_119 = tpu.memref_squeeze %dma_start3A_118 : memref<1x16xi32, #tpu.memory_space<vmem>> -> memref<16xi32, #tpu.memory_space<vmem>>
      %dma_start3A_120 = arith.constant 0 : i32
      %dma_start3A_121 = arith.constant 0 : i32
      %dma_start3A_122 = tpu.memref_slice %arg4[%dma_start3A_120, %dma_start3A_121] : memref<50257x1024xf32, #tpu.memory_space<hbm>> -> memref<50257x1024xf32, #tpu.memory_space<hbm>>
      tpu.enqueue_indirect_dma source(%dma_start3A_122 : memref<50257x1024xf32, #tpu.memory_space<hbm>>) target(%arg10 : memref<16x1024xf32, #tpu.memory_space<vmem>>) offsets(%dma_start3A_119 : memref<16xi32, #tpu.memory_space<vmem>>) semaphore(%arg16 : memref<!tpu.dma_semaphore, #tpu.memory_space<semaphore_mem>>)
      %scan3A_123 = arith.constant 0 : i32
      %scan3A_124 = arith.constant 0 : i32
      %scan3A_125 = arith.constant 16 : i32
      %scan3A_126 = arith.addi %scan3A_124, %scan3A_125 : i32
      %scan3A_127 = arith.constant 1 : i32
      scf.for %scan3A_386 = %scan3A_124 to %scan3A_126 step %scan3A_127  : i32 {
        %scan3A_387 = arith.constant 0 : i32
        %scan3A_388 = arith.constant 64 : i32
        %scan3A_389 = arith.addi %scan3A_387, %scan3A_388 : i32
        %scan3A_390 = arith.constant 4 : i32
        scf.for %scan3A_392 = %scan3A_387 to %scan3A_389 step %scan3A_390  : i32 {
          %mul3A_393 = arith.constant 16 : i32
          %mul3A_394 = arith.muli %scan3A_392, %mul3A_393 : i32
          %get3A = arith.index_cast %scan3A_386 : i32 to index
          %get3A_395 = arith.index_cast %mul3A_394 : i32 to index
          %get3A_396 = tpu.vector_load %arg8[%get3A, %get3A_395] {strides = array<i32>} : memref<16x1024xf32, #tpu.memory_space<vmem>>, vector<1x16xf32>,
          %get3A_397 = vector.shape_cast %get3A_396 : vector<1x16xf32> to vector<16xf32>
          %get3A_398 = arith.index_cast %scan3A_386 : i32 to index
          %get3A_399 = arith.index_cast %mul3A_394 : i32 to index
          %get3A_400 = tpu.vector_load %arg11[%get3A_398, %get3A_399] {strides = array<i32>} : memref<16x1024xf32, #tpu.memory_space<vmem>>, vector<1x16xf32>,
          %get3A_401 = vector.shape_cast %get3A_400 : vector<1x16xf32> to vector<16xf32>
          %add3A_402 = arith.addf %get3A_397, %get3A_401 : vector<16xf32>
          %swap3A = arith.index_cast %scan3A_386 : i32 to index
          %swap3A_403 = arith.index_cast %mul3A_394 : i32 to index
          %swap3A_404 = tpu.vector_load %arg8[%swap3A, %swap3A_403] {strides = array<i32>} : memref<16x1024xf32, #tpu.memory_space<vmem>>, vector<1x16xf32>,
          %swap3A_405 = vector.shape_cast %swap3A_404 : vector<1x16xf32> to vector<16xf32>
          %swap3A_406 = vector.shape_cast %add3A_402 : vector<16xf32> to vector<1x16xf32>
          tpu.vector_store %arg8[%swap3A, %swap3A_403], %swap3A_406 {strides = array<i32>} : memref<16x1024xf32, #tpu.memory_space<vmem>>, vector<1x16xf32>,
          %scan3A_407 = arith.constant 1 : i32
          %scan3A_408 = arith.addi %scan3A_392, %scan3A_407 : i32
          %mul3A_409 = arith.constant 16 : i32
          %mul3A_410 = arith.muli %scan3A_408, %mul3A_409 : i32
          %get3A_411 = arith.index_cast %scan3A_386 : i32 to index
          %get3A_412 = arith.index_cast %mul3A_410 : i32 to index
          %get3A_413 = tpu.vector_load %arg8[%get3A_411, %get3A_412] {strides = array<i32>} : memref<16x1024xf32, #tpu.memory_space<vmem>>, vector<1x16xf32>,
          %get3A_414 = vector.shape_cast %get3A_413 : vector<1x16xf32> to vector<16xf32>
          %get3A_415 = arith.index_cast %scan3A_386 : i32 to index
          %get3A_416 = arith.index_cast %mul3A_410 : i32 to index
          %get3A_417 = tpu.vector_load %arg11[%get3A_415, %get3A_416] {strides = array<i32>} : memref<16x1024xf32, #tpu.memory_space<vmem>>, vector<1x16xf32>,
          %get3A_418 = vector.shape_cast %get3A_417 : vector<1x16xf32> to vector<16xf32>
          %add3A_419 = arith.addf %get3A_414, %get3A_418 : vector<16xf32>
          %swap3A_420 = arith.index_cast %scan3A_386 : i32 to index
          %swap3A_421 = arith.index_cast %mul3A_410 : i32 to index
          %swap3A_422 = tpu.vector_load %arg8[%swap3A_420, %swap3A_421] {strides = array<i32>} : memref<16x1024xf32, #tpu.memory_space<vmem>>, vector<1x16xf32>,
          %swap3A_423 = vector.shape_cast %swap3A_422 : vector<1x16xf32> to vector<16xf32>
          %swap3A_424 = vector.shape_cast %add3A_419 : vector<16xf32> to vector<1x16xf32>
          tpu.vector_store %arg8[%swap3A_420, %swap3A_421], %swap3A_424 {strides = array<i32>} : memref<16x1024xf32, #tpu.memory_space<vmem>>, vector<1x16xf32>,
          %scan3A_425 = arith.constant 2 : i32
          %scan3A_426 = arith.addi %scan3A_392, %scan3A_425 : i32
          %mul3A_427 = arith.constant 16 : i32
          %mul3A_428 = arith.muli %scan3A_426, %mul3A_427 : i32
          %get3A_429 = arith.index_cast %scan3A_386 : i32 to index
          %get3A_430 = arith.index_cast %mul3A_428 : i32 to index
          %get3A_431 = tpu.vector_load %arg8[%get3A_429, %get3A_430] {strides = array<i32>} : memref<16x1024xf32, #tpu.memory_space<vmem>>, vector<1x16xf32>,
          %get3A_432 = vector.shape_cast %get3A_431 : vector<1x16xf32> to vector<16xf32>
          %get3A_433 = arith.index_cast %scan3A_386 : i32 to index
          %get3A_434 = arith.index_cast %mul3A_428 : i32 to index
          %get3A_435 = tpu.vector_load %arg11[%get3A_433, %get3A_434] {strides = array<i32>} : memref<16x1024xf32, #tpu.memory_space<vmem>>, vector<1x16xf32>,
          %get3A_436 = vector.shape_cast %get3A_435 : vector<1x16xf32> to vector<16xf32>
          %add3A_437 = arith.addf %get3A_432, %get3A_436 : vector<16xf32>
          %swap3A_438 = arith.index_cast %scan3A_386 : i32 to index
          %swap3A_439 = arith.index_cast %mul3A_428 : i32 to index
          %swap3A_440 = tpu.vector_load %arg8[%swap3A_438, %swap3A_439] {strides = array<i32>} : memref<16x1024xf32, #tpu.memory_space<vmem>>, vector<1x16xf32>,
          %swap3A_441 = vector.shape_cast %swap3A_440 : vector<1x16xf32> to vector<16xf32>
          %swap3A_442 = vector.shape_cast %add3A_437 : vector<16xf32> to vector<1x16xf32>
          tpu.vector_store %arg8[%swap3A_438, %swap3A_439], %swap3A_442 {strides = array<i32>} : memref<16x1024xf32, #tpu.memory_space<vmem>>, vector<1x16xf32>,
          %scan3A_443 = arith.constant 3 : i32
          %scan3A_444 = arith.addi %scan3A_392, %scan3A_443 : i32
          %mul3A_445 = arith.constant 16 : i32
          %mul3A_446 = arith.muli %scan3A_444, %mul3A_445 : i32
          %get3A_447 = arith.index_cast %scan3A_386 : i32 to index
          %get3A_448 = arith.index_cast %mul3A_446 : i32 to index
          %get3A_449 = tpu.vector_load %arg8[%get3A_447, %get3A_448] {strides = array<i32>} : memref<16x1024xf32, #tpu.memory_space<vmem>>, vector<1x16xf32>,
          %get3A_450 = vector.shape_cast %get3A_449 : vector<1x16xf32> to vector<16xf32>
          %get3A_451 = arith.index_cast %scan3A_386 : i32 to index
          %get3A_452 = arith.index_cast %mul3A_446 : i32 to index
          %get3A_453 = tpu.vector_load %arg11[%get3A_451, %get3A_452] {strides = array<i32>} : memref<16x1024xf32, #tpu.memory_space<vmem>>, vector<1x16xf32>,
          %get3A_454 = vector.shape_cast %get3A_453 : vector<1x16xf32> to vector<16xf32>
          %add3A_455 = arith.addf %get3A_450, %get3A_454 : vector<16xf32>
          %swap3A_456 = arith.index_cast %scan3A_386 : i32 to index
          %swap3A_457 = arith.index_cast %mul3A_446 : i32 to index
          %swap3A_458 = tpu.vector_load %arg8[%swap3A_456, %swap3A_457] {strides = array<i32>} : memref<16x1024xf32, #tpu.memory_space<vmem>>, vector<1x16xf32>,
          %swap3A_459 = vector.shape_cast %swap3A_458 : vector<1x16xf32> to vector<16xf32>
          %swap3A_460 = vector.shape_cast %add3A_455 : vector<16xf32> to vector<1x16xf32>
          tpu.vector_store %arg8[%swap3A_456, %swap3A_457], %swap3A_460 {strides = array<i32>} : memref<16x1024xf32, #tpu.memory_space<vmem>>, vector<1x16xf32>,
        }
        %scan3A_391 = arith.constant 64 : i32
      }
      %scan3A_128 = arith.constant 16 : i32
      %mul3A_129 = arith.constant 16 : i32
      %mul3A_130 = arith.muli %add3A_51, %mul3A_129 : i32
      %add3A_131 = arith.addi %mul3A_2, %mul3A_130 : i32
      %dma_start3A_132 = arith.constant 1 : i32
      %dma_start3A_133 = arith.constant 0 : i32
      %dma_start3A_134 = tpu.memref_slice %arg5[%dma_start3A_132, %add3A_131, %dma_start3A_133] : memref<4x4096x1024xf32, #tpu.memory_space<hbm>> -> memref<1x16x1024xf32, #tpu.memory_space<hbm>>
      %dma_start3A_135 = tpu.memref_squeeze %dma_start3A_134 : memref<1x16x1024xf32, #tpu.memory_space<hbm>> -> memref<16x1024xf32, #tpu.memory_space<hbm>>
      %dma_start3A_136 = arith.constant 0 : i32
      %dma_start3A_137 = tpu.memref_slice %arg5[%dma_start3A_132, %add3A_131, %dma_start3A_136] : memref<4x4096x1024xf32, #tpu.memory_space<hbm>> -> memref<1x16x1024xf32, #tpu.memory_space<hbm>>
      %dma_start3A_138 = tpu.memref_squeeze %dma_start3A_137 : memref<1x16x1024xf32, #tpu.memory_space<hbm>> -> memref<16x1024xf32, #tpu.memory_space<hbm>>
      tpu.enqueue_dma source(%arg8 : memref<16x1024xf32, #tpu.memory_space<vmem>>) target(%dma_start3A_138 : memref<16x1024xf32, #tpu.memory_space<hbm>>) target_semaphore(%arg18 : memref<!tpu.dma_semaphore, #tpu.memory_space<semaphore_mem>>)
      %mul3A_139 = arith.constant 16 : i32
      %mul3A_140 = arith.muli %add3A_51, %mul3A_139 : i32
      %dma_wait3A_141 = arith.constant 2 : i32
      %dma_wait3A_142 = tpu.memref_slice %arg6[%dma_wait3A_141, %mul3A_140] : memref<4x128xi32, #tpu.memory_space<vmem>> -> memref<1x16xi32, #tpu.memory_space<vmem>>
      %dma_wait3A_143 = tpu.memref_squeeze %dma_wait3A_142 : memref<1x16xi32, #tpu.memory_space<vmem>> -> memref<16xi32, #tpu.memory_space<vmem>>
      %dma_wait3A_144 = arith.constant 0 : i32
      %dma_wait3A_145 = arith.constant 0 : i32
      %dma_wait3A_146 = tpu.memref_slice %arg4[%dma_wait3A_144, %dma_wait3A_145] : memref<50257x1024xf32, #tpu.memory_space<hbm>> -> memref<50257x1024xf32, #tpu.memory_space<hbm>>
      tpu.wait_indirect_dma semaphore(%arg15 : memref<!tpu.dma_semaphore, #tpu.memory_space<semaphore_mem>>) src(%dma_wait3A_146 : memref<50257x1024xf32, #tpu.memory_space<hbm>>) dst(%arg9 : memref<16x1024xf32, #tpu.memory_space<vmem>>)
      %dma_wait3A_147 = arith.constant 0 : i32
      %dma_wait3A_148 = arith.constant 0 : i32
      %dma_wait3A_149 = tpu.memref_slice %arg5[%dma_wait3A_147, %mul3A_2, %dma_wait3A_148] : memref<4x4096x1024xf32, #tpu.memory_space<hbm>> -> memref<1x16x1024xf32, #tpu.memory_space<hbm>>
      %dma_wait3A_150 = tpu.memref_squeeze %dma_wait3A_149 : memref<1x16x1024xf32, #tpu.memory_space<hbm>> -> memref<16x1024xf32, #tpu.memory_space<hbm>>
      %dma_wait3A_151 = arith.constant 0 : i32
      %dma_wait3A_152 = tpu.memref_slice %arg5[%dma_wait3A_147, %mul3A_2, %dma_wait3A_151] : memref<4x4096x1024xf32, #tpu.memory_space<hbm>> -> memref<1x16x1024xf32, #tpu.memory_space<hbm>>
      %dma_wait3A_153 = tpu.memref_squeeze %dma_wait3A_152 : memref<1x16x1024xf32, #tpu.memory_space<hbm>> -> memref<16x1024xf32, #tpu.memory_space<hbm>>
      tpu.wait_dma2 semaphore(%arg17 : memref<!tpu.dma_semaphore, #tpu.memory_space<semaphore_mem>>) src(%arg7 : memref<16x1024xf32, #tpu.memory_space<vmem>>) dst(%dma_wait3A_153 : memref<16x1024xf32, #tpu.memory_space<hbm>>)
      %add3A_154 = arith.constant 1 : i32
      %add3A_155 = arith.addi %add3A_51, %add3A_154 : i32
      %mul3A_156 = arith.constant 16 : i32
      %mul3A_157 = arith.muli %add3A_155, %mul3A_156 : i32
      %dma_start3A_158 = arith.constant 0 : i32
      %dma_start3A_159 = tpu.memref_slice %arg6[%dma_start3A_158, %mul3A_157] : memref<4x128xi32, #tpu.memory_space<vmem>> -> memref<1x16xi32, #tpu.memory_space<vmem>>
      %dma_start3A_160 = tpu.memref_squeeze %dma_start3A_159 : memref<1x16xi32, #tpu.memory_space<vmem>> -> memref<16xi32, #tpu.memory_space<vmem>>
      %dma_start3A_161 = arith.constant 0 : i32
      %dma_start3A_162 = arith.constant 0 : i32
      %dma_start3A_163 = tpu.memref_slice %arg4[%dma_start3A_161, %dma_start3A_162] : memref<50257x1024xf32, #tpu.memory_space<hbm>> -> memref<50257x1024xf32, #tpu.memory_space<hbm>>
      tpu.enqueue_indirect_dma source(%dma_start3A_163 : memref<50257x1024xf32, #tpu.memory_space<hbm>>) target(%arg7 : memref<16x1024xf32, #tpu.memory_space<vmem>>) offsets(%dma_start3A_160 : memref<16xi32, #tpu.memory_space<vmem>>) semaphore(%arg13 : memref<!tpu.dma_semaphore, #tpu.memory_space<semaphore_mem>>)
      %scan3A_164 = arith.constant 0 : i32
      %scan3A_165 = arith.constant 0 : i32
      %scan3A_166 = arith.constant 16 : i32
      %scan3A_167 = arith.addi %scan3A_165, %scan3A_166 : i32
      %scan3A_168 = arith.constant 1 : i32
      scf.for %scan3A_386 = %scan3A_165 to %scan3A_167 step %scan3A_168  : i32 {
        %scan3A_387 = arith.constant 0 : i32
        %scan3A_388 = arith.constant 64 : i32
        %scan3A_389 = arith.addi %scan3A_387, %scan3A_388 : i32
        %scan3A_390 = arith.constant 4 : i32
        scf.for %scan3A_392 = %scan3A_387 to %scan3A_389 step %scan3A_390  : i32 {
          %mul3A_393 = arith.constant 16 : i32
          %mul3A_394 = arith.muli %scan3A_392, %mul3A_393 : i32
          %get3A = arith.index_cast %scan3A_386 : i32 to index
          %get3A_395 = arith.index_cast %mul3A_394 : i32 to index
          %get3A_396 = tpu.vector_load %arg9[%get3A, %get3A_395] {strides = array<i32>} : memref<16x1024xf32, #tpu.memory_space<vmem>>, vector<1x16xf32>,
          %get3A_397 = vector.shape_cast %get3A_396 : vector<1x16xf32> to vector<16xf32>
          %get3A_398 = arith.index_cast %scan3A_386 : i32 to index
          %get3A_399 = arith.index_cast %mul3A_394 : i32 to index
          %get3A_400 = tpu.vector_load %arg11[%get3A_398, %get3A_399] {strides = array<i32>} : memref<16x1024xf32, #tpu.memory_space<vmem>>, vector<1x16xf32>,
          %get3A_401 = vector.shape_cast %get3A_400 : vector<1x16xf32> to vector<16xf32>
          %add3A_402 = arith.addf %get3A_397, %get3A_401 : vector<16xf32>
          %swap3A = arith.index_cast %scan3A_386 : i32 to index
          %swap3A_403 = arith.index_cast %mul3A_394 : i32 to index
          %swap3A_404 = tpu.vector_load %arg9[%swap3A, %swap3A_403] {strides = array<i32>} : memref<16x1024xf32, #tpu.memory_space<vmem>>, vector<1x16xf32>,
          %swap3A_405 = vector.shape_cast %swap3A_404 : vector<1x16xf32> to vector<16xf32>
          %swap3A_406 = vector.shape_cast %add3A_402 : vector<16xf32> to vector<1x16xf32>
          tpu.vector_store %arg9[%swap3A, %swap3A_403], %swap3A_406 {strides = array<i32>} : memref<16x1024xf32, #tpu.memory_space<vmem>>, vector<1x16xf32>,
          %scan3A_407 = arith.constant 1 : i32
          %scan3A_408 = arith.addi %scan3A_392, %scan3A_407 : i32
          %mul3A_409 = arith.constant 16 : i32
          %mul3A_410 = arith.muli %scan3A_408, %mul3A_409 : i32
          %get3A_411 = arith.index_cast %scan3A_386 : i32 to index
          %get3A_412 = arith.index_cast %mul3A_410 : i32 to index
          %get3A_413 = tpu.vector_load %arg9[%get3A_411, %get3A_412] {strides = array<i32>} : memref<16x1024xf32, #tpu.memory_space<vmem>>, vector<1x16xf32>,
          %get3A_414 = vector.shape_cast %get3A_413 : vector<1x16xf32> to vector<16xf32>
          %get3A_415 = arith.index_cast %scan3A_386 : i32 to index
          %get3A_416 = arith.index_cast %mul3A_410 : i32 to index
          %get3A_417 = tpu.vector_load %arg11[%get3A_415, %get3A_416] {strides = array<i32>} : memref<16x1024xf32, #tpu.memory_space<vmem>>, vector<1x16xf32>,
          %get3A_418 = vector.shape_cast %get3A_417 : vector<1x16xf32> to vector<16xf32>
          %add3A_419 = arith.addf %get3A_414, %get3A_418 : vector<16xf32>
          %swap3A_420 = arith.index_cast %scan3A_386 : i32 to index
          %swap3A_421 = arith.index_cast %mul3A_410 : i32 to index
          %swap3A_422 = tpu.vector_load %arg9[%swap3A_420, %swap3A_421] {strides = array<i32>} : memref<16x1024xf32, #tpu.memory_space<vmem>>, vector<1x16xf32>,
          %swap3A_423 = vector.shape_cast %swap3A_422 : vector<1x16xf32> to vector<16xf32>
          %swap3A_424 = vector.shape_cast %add3A_419 : vector<16xf32> to vector<1x16xf32>
          tpu.vector_store %arg9[%swap3A_420, %swap3A_421], %swap3A_424 {strides = array<i32>} : memref<16x1024xf32, #tpu.memory_space<vmem>>, vector<1x16xf32>,
          %scan3A_425 = arith.constant 2 : i32
          %scan3A_426 = arith.addi %scan3A_392, %scan3A_425 : i32
          %mul3A_427 = arith.constant 16 : i32
          %mul3A_428 = arith.muli %scan3A_426, %mul3A_427 : i32
          %get3A_429 = arith.index_cast %scan3A_386 : i32 to index
          %get3A_430 = arith.index_cast %mul3A_428 : i32 to index
          %get3A_431 = tpu.vector_load %arg9[%get3A_429, %get3A_430] {strides = array<i32>} : memref<16x1024xf32, #tpu.memory_space<vmem>>, vector<1x16xf32>,
          %get3A_432 = vector.shape_cast %get3A_431 : vector<1x16xf32> to vector<16xf32>
          %get3A_433 = arith.index_cast %scan3A_386 : i32 to index
          %get3A_434 = arith.index_cast %mul3A_428 : i32 to index
          %get3A_435 = tpu.vector_load %arg11[%get3A_433, %get3A_434] {strides = array<i32>} : memref<16x1024xf32, #tpu.memory_space<vmem>>, vector<1x16xf32>,
          %get3A_436 = vector.shape_cast %get3A_435 : vector<1x16xf32> to vector<16xf32>
          %add3A_437 = arith.addf %get3A_432, %get3A_436 : vector<16xf32>
          %swap3A_438 = arith.index_cast %scan3A_386 : i32 to index
          %swap3A_439 = arith.index_cast %mul3A_428 : i32 to index
          %swap3A_440 = tpu.vector_load %arg9[%swap3A_438, %swap3A_439] {strides = array<i32>} : memref<16x1024xf32, #tpu.memory_space<vmem>>, vector<1x16xf32>,
          %swap3A_441 = vector.shape_cast %swap3A_440 : vector<1x16xf32> to vector<16xf32>
          %swap3A_442 = vector.shape_cast %add3A_437 : vector<16xf32> to vector<1x16xf32>
          tpu.vector_store %arg9[%swap3A_438, %swap3A_439], %swap3A_442 {strides = array<i32>} : memref<16x1024xf32, #tpu.memory_space<vmem>>, vector<1x16xf32>,
          %scan3A_443 = arith.constant 3 : i32
          %scan3A_444 = arith.addi %scan3A_392, %scan3A_443 : i32
          %mul3A_445 = arith.constant 16 : i32
          %mul3A_446 = arith.muli %scan3A_444, %mul3A_445 : i32
          %get3A_447 = arith.index_cast %scan3A_386 : i32 to index
          %get3A_448 = arith.index_cast %mul3A_446 : i32 to index
          %get3A_449 = tpu.vector_load %arg9[%get3A_447, %get3A_448] {strides = array<i32>} : memref<16x1024xf32, #tpu.memory_space<vmem>>, vector<1x16xf32>,
          %get3A_450 = vector.shape_cast %get3A_449 : vector<1x16xf32> to vector<16xf32>
          %get3A_451 = arith.index_cast %scan3A_386 : i32 to index
          %get3A_452 = arith.index_cast %mul3A_446 : i32 to index
          %get3A_453 = tpu.vector_load %arg11[%get3A_451, %get3A_452] {strides = array<i32>} : memref<16x1024xf32, #tpu.memory_space<vmem>>, vector<1x16xf32>,
          %get3A_454 = vector.shape_cast %get3A_453 : vector<1x16xf32> to vector<16xf32>
          %add3A_455 = arith.addf %get3A_450, %get3A_454 : vector<16xf32>
          %swap3A_456 = arith.index_cast %scan3A_386 : i32 to index
          %swap3A_457 = arith.index_cast %mul3A_446 : i32 to index
          %swap3A_458 = tpu.vector_load %arg9[%swap3A_456, %swap3A_457] {strides = array<i32>} : memref<16x1024xf32, #tpu.memory_space<vmem>>, vector<1x16xf32>,
          %swap3A_459 = vector.shape_cast %swap3A_458 : vector<1x16xf32> to vector<16xf32>
          %swap3A_460 = vector.shape_cast %add3A_455 : vector<16xf32> to vector<1x16xf32>
          tpu.vector_store %arg9[%swap3A_456, %swap3A_457], %swap3A_460 {strides = array<i32>} : memref<16x1024xf32, #tpu.memory_space<vmem>>, vector<1x16xf32>,
        }
        %scan3A_391 = arith.constant 64 : i32
      }
      %scan3A_169 = arith.constant 16 : i32
      %mul3A_170 = arith.constant 16 : i32
      %mul3A_171 = arith.muli %add3A_51, %mul3A_170 : i32
      %add3A_172 = arith.addi %mul3A_2, %mul3A_171 : i32
      %dma_start3A_173 = arith.constant 2 : i32
      %dma_start3A_174 = arith.constant 0 : i32
      %dma_start3A_175 = tpu.memref_slice %arg5[%dma_start3A_173, %add3A_172, %dma_start3A_174] : memref<4x4096x1024xf32, #tpu.memory_space<hbm>> -> memref<1x16x1024xf32, #tpu.memory_space<hbm>>
      %dma_start3A_176 = tpu.memref_squeeze %dma_start3A_175 : memref<1x16x1024xf32, #tpu.memory_space<hbm>> -> memref<16x1024xf32, #tpu.memory_space<hbm>>
      %dma_start3A_177 = arith.constant 0 : i32
      %dma_start3A_178 = tpu.memref_slice %arg5[%dma_start3A_173, %add3A_172, %dma_start3A_177] : memref<4x4096x1024xf32, #tpu.memory_space<hbm>> -> memref<1x16x1024xf32, #tpu.memory_space<hbm>>
      %dma_start3A_179 = tpu.memref_squeeze %dma_start3A_178 : memref<1x16x1024xf32, #tpu.memory_space<hbm>> -> memref<16x1024xf32, #tpu.memory_space<hbm>>
      tpu.enqueue_dma source(%arg9 : memref<16x1024xf32, #tpu.memory_space<vmem>>) target(%dma_start3A_179 : memref<16x1024xf32, #tpu.memory_space<hbm>>) target_semaphore(%arg19 : memref<!tpu.dma_semaphore, #tpu.memory_space<semaphore_mem>>)
      %mul3A_180 = arith.constant 16 : i32
      %mul3A_181 = arith.muli %add3A_51, %mul3A_180 : i32
      %dma_wait3A_182 = arith.constant 3 : i32
      %dma_wait3A_183 = tpu.memref_slice %arg6[%dma_wait3A_182, %mul3A_181] : memref<4x128xi32, #tpu.memory_space<vmem>> -> memref<1x16xi32, #tpu.memory_space<vmem>>
      %dma_wait3A_184 = tpu.memref_squeeze %dma_wait3A_183 : memref<1x16xi32, #tpu.memory_space<vmem>> -> memref<16xi32, #tpu.memory_space<vmem>>
      %dma_wait3A_185 = arith.constant 0 : i32
      %dma_wait3A_186 = arith.constant 0 : i32
      %dma_wait3A_187 = tpu.memref_slice %arg4[%dma_wait3A_185, %dma_wait3A_186] : memref<50257x1024xf32, #tpu.memory_space<hbm>> -> memref<50257x1024xf32, #tpu.memory_space<hbm>>
      tpu.wait_indirect_dma semaphore(%arg16 : memref<!tpu.dma_semaphore, #tpu.memory_space<semaphore_mem>>) src(%dma_wait3A_187 : memref<50257x1024xf32, #tpu.memory_space<hbm>>) dst(%arg10 : memref<16x1024xf32, #tpu.memory_space<vmem>>)
      %dma_wait3A_188 = arith.constant 0 : i32
      %dma_wait3A_189 = arith.constant 0 : i32
      %dma_wait3A_190 = tpu.memref_slice %arg5[%dma_wait3A_188, %mul3A_2, %dma_wait3A_189] : memref<4x4096x1024xf32, #tpu.memory_space<hbm>> -> memref<1x16x1024xf32, #tpu.memory_space<hbm>>
      %dma_wait3A_191 = tpu.memref_squeeze %dma_wait3A_190 : memref<1x16x1024xf32, #tpu.memory_space<hbm>> -> memref<16x1024xf32, #tpu.memory_space<hbm>>
      %dma_wait3A_192 = arith.constant 0 : i32
      %dma_wait3A_193 = tpu.memref_slice %arg5[%dma_wait3A_188, %mul3A_2, %dma_wait3A_192] : memref<4x4096x1024xf32, #tpu.memory_space<hbm>> -> memref<1x16x1024xf32, #tpu.memory_space<hbm>>
      %dma_wait3A_194 = tpu.memref_squeeze %dma_wait3A_193 : memref<1x16x1024xf32, #tpu.memory_space<hbm>> -> memref<16x1024xf32, #tpu.memory_space<hbm>>
      tpu.wait_dma2 semaphore(%arg18 : memref<!tpu.dma_semaphore, #tpu.memory_space<semaphore_mem>>) src(%arg8 : memref<16x1024xf32, #tpu.memory_space<vmem>>) dst(%dma_wait3A_194 : memref<16x1024xf32, #tpu.memory_space<hbm>>)
      %add3A_195 = arith.constant 1 : i32
      %add3A_196 = arith.addi %add3A_51, %add3A_195 : i32
      %mul3A_197 = arith.constant 16 : i32
      %mul3A_198 = arith.muli %add3A_196, %mul3A_197 : i32
      %dma_start3A_199 = arith.constant 1 : i32
      %dma_start3A_200 = tpu.memref_slice %arg6[%dma_start3A_199, %mul3A_198] : memref<4x128xi32, #tpu.memory_space<vmem>> -> memref<1x16xi32, #tpu.memory_space<vmem>>
      %dma_start3A_201 = tpu.memref_squeeze %dma_start3A_200 : memref<1x16xi32, #tpu.memory_space<vmem>> -> memref<16xi32, #tpu.memory_space<vmem>>
      %dma_start3A_202 = arith.constant 0 : i32
      %dma_start3A_203 = arith.constant 0 : i32
      %dma_start3A_204 = tpu.memref_slice %arg4[%dma_start3A_202, %dma_start3A_203] : memref<50257x1024xf32, #tpu.memory_space<hbm>> -> memref<50257x1024xf32, #tpu.memory_space<hbm>>
      tpu.enqueue_indirect_dma source(%dma_start3A_204 : memref<50257x1024xf32, #tpu.memory_space<hbm>>) target(%arg8 : memref<16x1024xf32, #tpu.memory_space<vmem>>) offsets(%dma_start3A_201 : memref<16xi32, #tpu.memory_space<vmem>>) semaphore(%arg14 : memref<!tpu.dma_semaphore, #tpu.memory_space<semaphore_mem>>)
      %scan3A_205 = arith.constant 0 : i32
      %scan3A_206 = arith.constant 0 : i32
      %scan3A_207 = arith.constant 16 : i32
      %scan3A_208 = arith.addi %scan3A_206, %scan3A_207 : i32
      %scan3A_209 = arith.constant 1 : i32
      scf.for %scan3A_386 = %scan3A_206 to %scan3A_208 step %scan3A_209  : i32 {
        %scan3A_387 = arith.constant 0 : i32
        %scan3A_388 = arith.constant 64 : i32
        %scan3A_389 = arith.addi %scan3A_387, %scan3A_388 : i32
        %scan3A_390 = arith.constant 4 : i32
        scf.for %scan3A_392 = %scan3A_387 to %scan3A_389 step %scan3A_390  : i32 {
          %mul3A_393 = arith.constant 16 : i32
          %mul3A_394 = arith.muli %scan3A_392, %mul3A_393 : i32
          %get3A = arith.index_cast %scan3A_386 : i32 to index
          %get3A_395 = arith.index_cast %mul3A_394 : i32 to index
          %get3A_396 = tpu.vector_load %arg10[%get3A, %get3A_395] {strides = array<i32>} : memref<16x1024xf32, #tpu.memory_space<vmem>>, vector<1x16xf32>,
          %get3A_397 = vector.shape_cast %get3A_396 : vector<1x16xf32> to vector<16xf32>
          %get3A_398 = arith.index_cast %scan3A_386 : i32 to index
          %get3A_399 = arith.index_cast %mul3A_394 : i32 to index
          %get3A_400 = tpu.vector_load %arg11[%get3A_398, %get3A_399] {strides = array<i32>} : memref<16x1024xf32, #tpu.memory_space<vmem>>, vector<1x16xf32>,
          %get3A_401 = vector.shape_cast %get3A_400 : vector<1x16xf32> to vector<16xf32>
          %add3A_402 = arith.addf %get3A_397, %get3A_401 : vector<16xf32>
          %swap3A = arith.index_cast %scan3A_386 : i32 to index
          %swap3A_403 = arith.index_cast %mul3A_394 : i32 to index
          %swap3A_404 = tpu.vector_load %arg10[%swap3A, %swap3A_403] {strides = array<i32>} : memref<16x1024xf32, #tpu.memory_space<vmem>>, vector<1x16xf32>,
          %swap3A_405 = vector.shape_cast %swap3A_404 : vector<1x16xf32> to vector<16xf32>
          %swap3A_406 = vector.shape_cast %add3A_402 : vector<16xf32> to vector<1x16xf32>
          tpu.vector_store %arg10[%swap3A, %swap3A_403], %swap3A_406 {strides = array<i32>} : memref<16x1024xf32, #tpu.memory_space<vmem>>, vector<1x16xf32>,
          %scan3A_407 = arith.constant 1 : i32
          %scan3A_408 = arith.addi %scan3A_392, %scan3A_407 : i32
          %mul3A_409 = arith.constant 16 : i32
          %mul3A_410 = arith.muli %scan3A_408, %mul3A_409 : i32
          %get3A_411 = arith.index_cast %scan3A_386 : i32 to index
          %get3A_412 = arith.index_cast %mul3A_410 : i32 to index
          %get3A_413 = tpu.vector_load %arg10[%get3A_411, %get3A_412] {strides = array<i32>} : memref<16x1024xf32, #tpu.memory_space<vmem>>, vector<1x16xf32>,
          %get3A_414 = vector.shape_cast %get3A_413 : vector<1x16xf32> to vector<16xf32>
          %get3A_415 = arith.index_cast %scan3A_386 : i32 to index
          %get3A_416 = arith.index_cast %mul3A_410 : i32 to index
          %get3A_417 = tpu.vector_load %arg11[%get3A_415, %get3A_416] {strides = array<i32>} : memref<16x1024xf32, #tpu.memory_space<vmem>>, vector<1x16xf32>,
          %get3A_418 = vector.shape_cast %get3A_417 : vector<1x16xf32> to vector<16xf32>
          %add3A_419 = arith.addf %get3A_414, %get3A_418 : vector<16xf32>
          %swap3A_420 = arith.index_cast %scan3A_386 : i32 to index
          %swap3A_421 = arith.index_cast %mul3A_410 : i32 to index
          %swap3A_422 = tpu.vector_load %arg10[%swap3A_420, %swap3A_421] {strides = array<i32>} : memref<16x1024xf32, #tpu.memory_space<vmem>>, vector<1x16xf32>,
          %swap3A_423 = vector.shape_cast %swap3A_422 : vector<1x16xf32> to vector<16xf32>
          %swap3A_424 = vector.shape_cast %add3A_419 : vector<16xf32> to vector<1x16xf32>
          tpu.vector_store %arg10[%swap3A_420, %swap3A_421], %swap3A_424 {strides = array<i32>} : memref<16x1024xf32, #tpu.memory_space<vmem>>, vector<1x16xf32>,
          %scan3A_425 = arith.constant 2 : i32
          %scan3A_426 = arith.addi %scan3A_392, %scan3A_425 : i32
          %mul3A_427 = arith.constant 16 : i32
          %mul3A_428 = arith.muli %scan3A_426, %mul3A_427 : i32
          %get3A_429 = arith.index_cast %scan3A_386 : i32 to index
          %get3A_430 = arith.index_cast %mul3A_428 : i32 to index
          %get3A_431 = tpu.vector_load %arg10[%get3A_429, %get3A_430] {strides = array<i32>} : memref<16x1024xf32, #tpu.memory_space<vmem>>, vector<1x16xf32>,
          %get3A_432 = vector.shape_cast %get3A_431 : vector<1x16xf32> to vector<16xf32>
          %get3A_433 = arith.index_cast %scan3A_386 : i32 to index
          %get3A_434 = arith.index_cast %mul3A_428 : i32 to index
          %get3A_435 = tpu.vector_load %arg11[%get3A_433, %get3A_434] {strides = array<i32>} : memref<16x1024xf32, #tpu.memory_space<vmem>>, vector<1x16xf32>,
          %get3A_436 = vector.shape_cast %get3A_435 : vector<1x16xf32> to vector<16xf32>
          %add3A_437 = arith.addf %get3A_432, %get3A_436 : vector<16xf32>
          %swap3A_438 = arith.index_cast %scan3A_386 : i32 to index
          %swap3A_439 = arith.index_cast %mul3A_428 : i32 to index
          %swap3A_440 = tpu.vector_load %arg10[%swap3A_438, %swap3A_439] {strides = array<i32>} : memref<16x1024xf32, #tpu.memory_space<vmem>>, vector<1x16xf32>,
          %swap3A_441 = vector.shape_cast %swap3A_440 : vector<1x16xf32> to vector<16xf32>
          %swap3A_442 = vector.shape_cast %add3A_437 : vector<16xf32> to vector<1x16xf32>
          tpu.vector_store %arg10[%swap3A_438, %swap3A_439], %swap3A_442 {strides = array<i32>} : memref<16x1024xf32, #tpu.memory_space<vmem>>, vector<1x16xf32>,
          %scan3A_443 = arith.constant 3 : i32
          %scan3A_444 = arith.addi %scan3A_392, %scan3A_443 : i32
          %mul3A_445 = arith.constant 16 : i32
          %mul3A_446 = arith.muli %scan3A_444, %mul3A_445 : i32
          %get3A_447 = arith.index_cast %scan3A_386 : i32 to index
          %get3A_448 = arith.index_cast %mul3A_446 : i32 to index
          %get3A_449 = tpu.vector_load %arg10[%get3A_447, %get3A_448] {strides = array<i32>} : memref<16x1024xf32, #tpu.memory_space<vmem>>, vector<1x16xf32>,
          %get3A_450 = vector.shape_cast %get3A_449 : vector<1x16xf32> to vector<16xf32>
          %get3A_451 = arith.index_cast %scan3A_386 : i32 to index
          %get3A_452 = arith.index_cast %mul3A_446 : i32 to index
          %get3A_453 = tpu.vector_load %arg11[%get3A_451, %get3A_452] {strides = array<i32>} : memref<16x1024xf32, #tpu.memory_space<vmem>>, vector<1x16xf32>,
          %get3A_454 = vector.shape_cast %get3A_453 : vector<1x16xf32> to vector<16xf32>
          %add3A_455 = arith.addf %get3A_450, %get3A_454 : vector<16xf32>
          %swap3A_456 = arith.index_cast %scan3A_386 : i32 to index
          %swap3A_457 = arith.index_cast %mul3A_446 : i32 to index
          %swap3A_458 = tpu.vector_load %arg10[%swap3A_456, %swap3A_457] {strides = array<i32>} : memref<16x1024xf32, #tpu.memory_space<vmem>>, vector<1x16xf32>,
          %swap3A_459 = vector.shape_cast %swap3A_458 : vector<1x16xf32> to vector<16xf32>
          %swap3A_460 = vector.shape_cast %add3A_455 : vector<16xf32> to vector<1x16xf32>
          tpu.vector_store %arg10[%swap3A_456, %swap3A_457], %swap3A_460 {strides = array<i32>} : memref<16x1024xf32, #tpu.memory_space<vmem>>, vector<1x16xf32>,
        }
        %scan3A_391 = arith.constant 64 : i32
      }
      %scan3A_210 = arith.constant 16 : i32
      %mul3A_211 = arith.constant 16 : i32
      %mul3A_212 = arith.muli %add3A_51, %mul3A_211 : i32
      %add3A_213 = arith.addi %mul3A_2, %mul3A_212 : i32
      %dma_start3A_214 = arith.constant 3 : i32
      %dma_start3A_215 = arith.constant 0 : i32
      %dma_start3A_216 = tpu.memref_slice %arg5[%dma_start3A_214, %add3A_213, %dma_start3A_215] : memref<4x4096x1024xf32, #tpu.memory_space<hbm>> -> memref<1x16x1024xf32, #tpu.memory_space<hbm>>
      %dma_start3A_217 = tpu.memref_squeeze %dma_start3A_216 : memref<1x16x1024xf32, #tpu.memory_space<hbm>> -> memref<16x1024xf32, #tpu.memory_space<hbm>>
      %dma_start3A_218 = arith.constant 0 : i32
      %dma_start3A_219 = tpu.memref_slice %arg5[%dma_start3A_214, %add3A_213, %dma_start3A_218] : memref<4x4096x1024xf32, #tpu.memory_space<hbm>> -> memref<1x16x1024xf32, #tpu.memory_space<hbm>>
      %dma_start3A_220 = tpu.memref_squeeze %dma_start3A_219 : memref<1x16x1024xf32, #tpu.memory_space<hbm>> -> memref<16x1024xf32, #tpu.memory_space<hbm>>
      tpu.enqueue_dma source(%arg10 : memref<16x1024xf32, #tpu.memory_space<vmem>>) target(%dma_start3A_220 : memref<16x1024xf32, #tpu.memory_space<hbm>>) target_semaphore(%arg20 : memref<!tpu.dma_semaphore, #tpu.memory_space<semaphore_mem>>)
      %mul3A_221 = arith.constant 2 : i32
      %mul3A_222 = arith.muli %mul3A_221, %scan3A_47 : i32
      %add3A_223 = arith.constant 1 : i32
      %add3A_224 = arith.addi %mul3A_222, %add3A_223 : i32
      %mul3A_225 = arith.constant 16 : i32
      %mul3A_226 = arith.muli %add3A_224, %mul3A_225 : i32
      %add3A_227 = arith.addi %mul3A_2, %mul3A_226 : i32
      %dma_wait3A_228 = arith.constant 0 : i32
      %dma_wait3A_229 = tpu.memref_slice %arg3[%add3A_227, %dma_wait3A_228] : memref<5000x1024xf32, #tpu.memory_space<hbm>> -> memref<16x1024xf32, #tpu.memory_space<hbm>>
      %dma_wait3A_230 = arith.constant 0 : i32
      %dma_wait3A_231 = tpu.memref_slice %arg3[%add3A_227, %dma_wait3A_230] : memref<5000x1024xf32, #tpu.memory_space<hbm>> -> memref<16x1024xf32, #tpu.memory_space<hbm>>
      tpu.wait_dma2 semaphore(%arg22 : memref<!tpu.dma_semaphore, #tpu.memory_space<semaphore_mem>>) src(%dma_wait3A_231 : memref<16x1024xf32, #tpu.memory_space<hbm>>) dst(%arg12 : memref<16x1024xf32, #tpu.memory_space<vmem>>)
      %lt3A = arith.constant 3 : i32
      %lt3A_232 = arith.cmpi slt, %scan3A_47, %lt3A : i32
      %convert_element_type3A_233 = arith.extui %lt3A_232 : i1 to i32
      %cond3A_234 = arith.constant 0 : i32
      %cond3A_235 = arith.cmpi ne, %convert_element_type3A_233, %cond3A_234 : i32
      scf.if %cond3A_235 {
        %add3A_386 = arith.constant 1 : i32
        %add3A_387 = arith.addi %add3A_224, %add3A_386 : i32
        %mul3A_388 = arith.constant 16 : i32
        %mul3A_389 = arith.muli %add3A_387, %mul3A_388 : i32
        %add3A_390 = arith.addi %mul3A_2, %mul3A_389 : i32
        %dma_start3A_391 = arith.constant 0 : i32
        %dma_start3A_392 = tpu.memref_slice %arg3[%add3A_390, %dma_start3A_391] : memref<5000x1024xf32, #tpu.memory_space<hbm>> -> memref<16x1024xf32, #tpu.memory_space<hbm>>
        %dma_start3A_393 = arith.constant 0 : i32
        %dma_start3A_394 = tpu.memref_slice %arg3[%add3A_390, %dma_start3A_393] : memref<5000x1024xf32, #tpu.memory_space<hbm>> -> memref<16x1024xf32, #tpu.memory_space<hbm>>
        tpu.enqueue_dma source(%dma_start3A_394 : memref<16x1024xf32, #tpu.memory_space<hbm>>) target(%arg11 : memref<16x1024xf32, #tpu.memory_space<vmem>>) target_semaphore(%arg21 : memref<!tpu.dma_semaphore, #tpu.memory_space<semaphore_mem>>)
      } else {
      }
      %mul3A_236 = arith.constant 16 : i32
      %mul3A_237 = arith.muli %add3A_224, %mul3A_236 : i32
      %dma_wait3A_238 = arith.constant 0 : i32
      %dma_wait3A_239 = tpu.memref_slice %arg6[%dma_wait3A_238, %mul3A_237] : memref<4x128xi32, #tpu.memory_space<vmem>> -> memref<1x16xi32, #tpu.memory_space<vmem>>
      %dma_wait3A_240 = tpu.memref_squeeze %dma_wait3A_239 : memref<1x16xi32, #tpu.memory_space<vmem>> -> memref<16xi32, #tpu.memory_space<vmem>>
      %dma_wait3A_241 = arith.constant 0 : i32
      %dma_wait3A_242 = arith.constant 0 : i32
      %dma_wait3A_243 = tpu.memref_slice %arg4[%dma_wait3A_241, %dma_wait3A_242] : memref<50257x1024xf32, #tpu.memory_space<hbm>> -> memref<50257x1024xf32, #tpu.memory_space<hbm>>
      tpu.wait_indirect_dma semaphore(%arg13 : memref<!tpu.dma_semaphore, #tpu.memory_space<semaphore_mem>>) src(%dma_wait3A_243 : memref<50257x1024xf32, #tpu.memory_space<hbm>>) dst(%arg7 : memref<16x1024xf32, #tpu.memory_space<vmem>>)
      %dma_wait3A_244 = arith.constant 0 : i32
      %dma_wait3A_245 = arith.constant 0 : i32
      %dma_wait3A_246 = tpu.memref_slice %arg5[%dma_wait3A_244, %mul3A_2, %dma_wait3A_245] : memref<4x4096x1024xf32, #tpu.memory_space<hbm>> -> memref<1x16x1024xf32, #tpu.memory_space<hbm>>
      %dma_wait3A_247 = tpu.memref_squeeze %dma_wait3A_246 : memref<1x16x1024xf32, #tpu.memory_space<hbm>> -> memref<16x1024xf32, #tpu.memory_space<hbm>>
      %dma_wait3A_248 = arith.constant 0 : i32
      %dma_wait3A_249 = tpu.memref_slice %arg5[%dma_wait3A_244, %mul3A_2, %dma_wait3A_248] : memref<4x4096x1024xf32, #tpu.memory_space<hbm>> -> memref<1x16x1024xf32, #tpu.memory_space<hbm>>
      %dma_wait3A_250 = tpu.memref_squeeze %dma_wait3A_249 : memref<1x16x1024xf32, #tpu.memory_space<hbm>> -> memref<16x1024xf32, #tpu.memory_space<hbm>>
      tpu.wait_dma2 semaphore(%arg19 : memref<!tpu.dma_semaphore, #tpu.memory_space<semaphore_mem>>) src(%arg9 : memref<16x1024xf32, #tpu.memory_space<vmem>>) dst(%dma_wait3A_250 : memref<16x1024xf32, #tpu.memory_space<hbm>>)
      %mul3A_251 = arith.constant 16 : i32
      %mul3A_252 = arith.muli %add3A_224, %mul3A_251 : i32
      %dma_start3A_253 = arith.constant 2 : i32
      %dma_start3A_254 = tpu.memref_slice %arg6[%dma_start3A_253, %mul3A_252] : memref<4x128xi32, #tpu.memory_space<vmem>> -> memref<1x16xi32, #tpu.memory_space<vmem>>
      %dma_start3A_255 = tpu.memref_squeeze %dma_start3A_254 : memref<1x16xi32, #tpu.memory_space<vmem>> -> memref<16xi32, #tpu.memory_space<vmem>>
      %dma_start3A_256 = arith.constant 0 : i32
      %dma_start3A_257 = arith.constant 0 : i32
      %dma_start3A_258 = tpu.memref_slice %arg4[%dma_start3A_256, %dma_start3A_257] : memref<50257x1024xf32, #tpu.memory_space<hbm>> -> memref<50257x1024xf32, #tpu.memory_space<hbm>>
      tpu.enqueue_indirect_dma source(%dma_start3A_258 : memref<50257x1024xf32, #tpu.memory_space<hbm>>) target(%arg9 : memref<16x1024xf32, #tpu.memory_space<vmem>>) offsets(%dma_start3A_255 : memref<16xi32, #tpu.memory_space<vmem>>) semaphore(%arg15 : memref<!tpu.dma_semaphore, #tpu.memory_space<semaphore_mem>>)
      %scan3A_259 = arith.constant 0 : i32
      %scan3A_260 = arith.constant 0 : i32
      %scan3A_261 = arith.constant 16 : i32
      %scan3A_262 = arith.addi %scan3A_260, %scan3A_261 : i32
      %scan3A_263 = arith.constant 1 : i32
      scf.for %scan3A_386 = %scan3A_260 to %scan3A_262 step %scan3A_263  : i32 {
        %scan3A_387 = arith.constant 0 : i32
        %scan3A_388 = arith.constant 64 : i32
        %scan3A_389 = arith.addi %scan3A_387, %scan3A_388 : i32
        %scan3A_390 = arith.constant 4 : i32
        scf.for %scan3A_392 = %scan3A_387 to %scan3A_389 step %scan3A_390  : i32 {
          %mul3A_393 = arith.constant 16 : i32
          %mul3A_394 = arith.muli %scan3A_392, %mul3A_393 : i32
          %get3A = arith.index_cast %scan3A_386 : i32 to index
          %get3A_395 = arith.index_cast %mul3A_394 : i32 to index
          %get3A_396 = tpu.vector_load %arg7[%get3A, %get3A_395] {strides = array<i32>} : memref<16x1024xf32, #tpu.memory_space<vmem>>, vector<1x16xf32>,
          %get3A_397 = vector.shape_cast %get3A_396 : vector<1x16xf32> to vector<16xf32>
          %get3A_398 = arith.index_cast %scan3A_386 : i32 to index
          %get3A_399 = arith.index_cast %mul3A_394 : i32 to index
          %get3A_400 = tpu.vector_load %arg12[%get3A_398, %get3A_399] {strides = array<i32>} : memref<16x1024xf32, #tpu.memory_space<vmem>>, vector<1x16xf32>,
          %get3A_401 = vector.shape_cast %get3A_400 : vector<1x16xf32> to vector<16xf32>
          %add3A_402 = arith.addf %get3A_397, %get3A_401 : vector<16xf32>
          %swap3A = arith.index_cast %scan3A_386 : i32 to index
          %swap3A_403 = arith.index_cast %mul3A_394 : i32 to index
          %swap3A_404 = tpu.vector_load %arg7[%swap3A, %swap3A_403] {strides = array<i32>} : memref<16x1024xf32, #tpu.memory_space<vmem>>, vector<1x16xf32>,
          %swap3A_405 = vector.shape_cast %swap3A_404 : vector<1x16xf32> to vector<16xf32>
          %swap3A_406 = vector.shape_cast %add3A_402 : vector<16xf32> to vector<1x16xf32>
          tpu.vector_store %arg7[%swap3A, %swap3A_403], %swap3A_406 {strides = array<i32>} : memref<16x1024xf32, #tpu.memory_space<vmem>>, vector<1x16xf32>,
          %scan3A_407 = arith.constant 1 : i32
          %scan3A_408 = arith.addi %scan3A_392, %scan3A_407 : i32
          %mul3A_409 = arith.constant 16 : i32
          %mul3A_410 = arith.muli %scan3A_408, %mul3A_409 : i32
          %get3A_411 = arith.index_cast %scan3A_386 : i32 to index
          %get3A_412 = arith.index_cast %mul3A_410 : i32 to index
          %get3A_413 = tpu.vector_load %arg7[%get3A_411, %get3A_412] {strides = array<i32>} : memref<16x1024xf32, #tpu.memory_space<vmem>>, vector<1x16xf32>,
          %get3A_414 = vector.shape_cast %get3A_413 : vector<1x16xf32> to vector<16xf32>
          %get3A_415 = arith.index_cast %scan3A_386 : i32 to index
          %get3A_416 = arith.index_cast %mul3A_410 : i32 to index
          %get3A_417 = tpu.vector_load %arg12[%get3A_415, %get3A_416] {strides = array<i32>} : memref<16x1024xf32, #tpu.memory_space<vmem>>, vector<1x16xf32>,
          %get3A_418 = vector.shape_cast %get3A_417 : vector<1x16xf32> to vector<16xf32>
          %add3A_419 = arith.addf %get3A_414, %get3A_418 : vector<16xf32>
          %swap3A_420 = arith.index_cast %scan3A_386 : i32 to index
          %swap3A_421 = arith.index_cast %mul3A_410 : i32 to index
          %swap3A_422 = tpu.vector_load %arg7[%swap3A_420, %swap3A_421] {strides = array<i32>} : memref<16x1024xf32, #tpu.memory_space<vmem>>, vector<1x16xf32>,
          %swap3A_423 = vector.shape_cast %swap3A_422 : vector<1x16xf32> to vector<16xf32>
          %swap3A_424 = vector.shape_cast %add3A_419 : vector<16xf32> to vector<1x16xf32>
          tpu.vector_store %arg7[%swap3A_420, %swap3A_421], %swap3A_424 {strides = array<i32>} : memref<16x1024xf32, #tpu.memory_space<vmem>>, vector<1x16xf32>,
          %scan3A_425 = arith.constant 2 : i32
          %scan3A_426 = arith.addi %scan3A_392, %scan3A_425 : i32
          %mul3A_427 = arith.constant 16 : i32
          %mul3A_428 = arith.muli %scan3A_426, %mul3A_427 : i32
          %get3A_429 = arith.index_cast %scan3A_386 : i32 to index
          %get3A_430 = arith.index_cast %mul3A_428 : i32 to index
          %get3A_431 = tpu.vector_load %arg7[%get3A_429, %get3A_430] {strides = array<i32>} : memref<16x1024xf32, #tpu.memory_space<vmem>>, vector<1x16xf32>,
          %get3A_432 = vector.shape_cast %get3A_431 : vector<1x16xf32> to vector<16xf32>
          %get3A_433 = arith.index_cast %scan3A_386 : i32 to index
          %get3A_434 = arith.index_cast %mul3A_428 : i32 to index
          %get3A_435 = tpu.vector_load %arg12[%get3A_433, %get3A_434] {strides = array<i32>} : memref<16x1024xf32, #tpu.memory_space<vmem>>, vector<1x16xf32>,
          %get3A_436 = vector.shape_cast %get3A_435 : vector<1x16xf32> to vector<16xf32>
          %add3A_437 = arith.addf %get3A_432, %get3A_436 : vector<16xf32>
          %swap3A_438 = arith.index_cast %scan3A_386 : i32 to index
          %swap3A_439 = arith.index_cast %mul3A_428 : i32 to index
          %swap3A_440 = tpu.vector_load %arg7[%swap3A_438, %swap3A_439] {strides = array<i32>} : memref<16x1024xf32, #tpu.memory_space<vmem>>, vector<1x16xf32>,
          %swap3A_441 = vector.shape_cast %swap3A_440 : vector<1x16xf32> to vector<16xf32>
          %swap3A_442 = vector.shape_cast %add3A_437 : vector<16xf32> to vector<1x16xf32>
          tpu.vector_store %arg7[%swap3A_438, %swap3A_439], %swap3A_442 {strides = array<i32>} : memref<16x1024xf32, #tpu.memory_space<vmem>>, vector<1x16xf32>,
          %scan3A_443 = arith.constant 3 : i32
          %scan3A_444 = arith.addi %scan3A_392, %scan3A_443 : i32
          %mul3A_445 = arith.constant 16 : i32
          %mul3A_446 = arith.muli %scan3A_444, %mul3A_445 : i32
          %get3A_447 = arith.index_cast %scan3A_386 : i32 to index
          %get3A_448 = arith.index_cast %mul3A_446 : i32 to index
          %get3A_449 = tpu.vector_load %arg7[%get3A_447, %get3A_448] {strides = array<i32>} : memref<16x1024xf32, #tpu.memory_space<vmem>>, vector<1x16xf32>,
          %get3A_450 = vector.shape_cast %get3A_449 : vector<1x16xf32> to vector<16xf32>
          %get3A_451 = arith.index_cast %scan3A_386 : i32 to index
          %get3A_452 = arith.index_cast %mul3A_446 : i32 to index
          %get3A_453 = tpu.vector_load %arg12[%get3A_451, %get3A_452] {strides = array<i32>} : memref<16x1024xf32, #tpu.memory_space<vmem>>, vector<1x16xf32>,
          %get3A_454 = vector.shape_cast %get3A_453 : vector<1x16xf32> to vector<16xf32>
          %add3A_455 = arith.addf %get3A_450, %get3A_454 : vector<16xf32>
          %swap3A_456 = arith.index_cast %scan3A_386 : i32 to index
          %swap3A_457 = arith.index_cast %mul3A_446 : i32 to index
          %swap3A_458 = tpu.vector_load %arg7[%swap3A_456, %swap3A_457] {strides = array<i32>} : memref<16x1024xf32, #tpu.memory_space<vmem>>, vector<1x16xf32>,
          %swap3A_459 = vector.shape_cast %swap3A_458 : vector<1x16xf32> to vector<16xf32>
          %swap3A_460 = vector.shape_cast %add3A_455 : vector<16xf32> to vector<1x16xf32>
          tpu.vector_store %arg7[%swap3A_456, %swap3A_457], %swap3A_460 {strides = array<i32>} : memref<16x1024xf32, #tpu.memory_space<vmem>>, vector<1x16xf32>,
        }
        %scan3A_391 = arith.constant 64 : i32
      }
      %scan3A_264 = arith.constant 16 : i32
      %mul3A_265 = arith.constant 16 : i32
      %mul3A_266 = arith.muli %add3A_224, %mul3A_265 : i32
      %add3A_267 = arith.addi %mul3A_2, %mul3A_266 : i32
      %dma_start3A_268 = arith.constant 0 : i32
      %dma_start3A_269 = arith.constant 0 : i32
      %dma_start3A_270 = tpu.memref_slice %arg5[%dma_start3A_268, %add3A_267, %dma_start3A_269] : memref<4x4096x1024xf32, #tpu.memory_space<hbm>> -> memref<1x16x1024xf32, #tpu.memory_space<hbm>>
      %dma_start3A_271 = tpu.memref_squeeze %dma_start3A_270 : memref<1x16x1024xf32, #tpu.memory_space<hbm>> -> memref<16x1024xf32, #tpu.memory_space<hbm>>
      %dma_start3A_272 = arith.constant 0 : i32
      %dma_start3A_273 = tpu.memref_slice %arg5[%dma_start3A_268, %add3A_267, %dma_start3A_272] : memref<4x4096x1024xf32, #tpu.memory_space<hbm>> -> memref<1x16x1024xf32, #tpu.memory_space<hbm>>
      %dma_start3A_274 = tpu.memref_squeeze %dma_start3A_273 : memref<1x16x1024xf32, #tpu.memory_space<hbm>> -> memref<16x1024xf32, #tpu.memory_space<hbm>>
      tpu.enqueue_dma source(%arg7 : memref<16x1024xf32, #tpu.memory_space<vmem>>) target(%dma_start3A_274 : memref<16x1024xf32, #tpu.memory_space<hbm>>) target_semaphore(%arg17 : memref<!tpu.dma_semaphore, #tpu.memory_space<semaphore_mem>>)
      %mul3A_275 = arith.constant 16 : i32
      %mul3A_276 = arith.muli %add3A_224, %mul3A_275 : i32
      %dma_wait3A_277 = arith.constant 1 : i32
      %dma_wait3A_278 = tpu.memref_slice %arg6[%dma_wait3A_277, %mul3A_276] : memref<4x128xi32, #tpu.memory_space<vmem>> -> memref<1x16xi32, #tpu.memory_space<vmem>>
      %dma_wait3A_279 = tpu.memref_squeeze %dma_wait3A_278 : memref<1x16xi32, #tpu.memory_space<vmem>> -> memref<16xi32, #tpu.memory_space<vmem>>
      %dma_wait3A_280 = arith.constant 0 : i32
      %dma_wait3A_281 = arith.constant 0 : i32
      %dma_wait3A_282 = tpu.memref_slice %arg4[%dma_wait3A_280, %dma_wait3A_281] : memref<50257x1024xf32, #tpu.memory_space<hbm>> -> memref<50257x1024xf32, #tpu.memory_space<hbm>>
      tpu.wait_indirect_dma semaphore(%arg14 : memref<!tpu.dma_semaphore, #tpu.memory_space<semaphore_mem>>) src(%dma_wait3A_282 : memref<50257x1024xf32, #tpu.memory_space<hbm>>) dst(%arg8 : memref<16x1024xf32, #tpu.memory_space<vmem>>)
      %dma_wait3A_283 = arith.constant 0 : i32
      %dma_wait3A_284 = arith.constant 0 : i32
      %dma_wait3A_285 = tpu.memref_slice %arg5[%dma_wait3A_283, %mul3A_2, %dma_wait3A_284] : memref<4x4096x1024xf32, #tpu.memory_space<hbm>> -> memref<1x16x1024xf32, #tpu.memory_space<hbm>>
      %dma_wait3A_286 = tpu.memref_squeeze %dma_wait3A_285 : memref<1x16x1024xf32, #tpu.memory_space<hbm>> -> memref<16x1024xf32, #tpu.memory_space<hbm>>
      %dma_wait3A_287 = arith.constant 0 : i32
      %dma_wait3A_288 = tpu.memref_slice %arg5[%dma_wait3A_283, %mul3A_2, %dma_wait3A_287] : memref<4x4096x1024xf32, #tpu.memory_space<hbm>> -> memref<1x16x1024xf32, #tpu.memory_space<hbm>>
      %dma_wait3A_289 = tpu.memref_squeeze %dma_wait3A_288 : memref<1x16x1024xf32, #tpu.memory_space<hbm>> -> memref<16x1024xf32, #tpu.memory_space<hbm>>
      tpu.wait_dma2 semaphore(%arg20 : memref<!tpu.dma_semaphore, #tpu.memory_space<semaphore_mem>>) src(%arg10 : memref<16x1024xf32, #tpu.memory_space<vmem>>) dst(%dma_wait3A_289 : memref<16x1024xf32, #tpu.memory_space<hbm>>)
      %mul3A_290 = arith.constant 16 : i32
      %mul3A_291 = arith.muli %add3A_224, %mul3A_290 : i32
      %dma_start3A_292 = arith.constant 3 : i32
      %dma_start3A_293 = tpu.memref_slice %arg6[%dma_start3A_292, %mul3A_291] : memref<4x128xi32, #tpu.memory_space<vmem>> -> memref<1x16xi32, #tpu.memory_space<vmem>>
      %dma_start3A_294 = tpu.memref_squeeze %dma_start3A_293 : memref<1x16xi32, #tpu.memory_space<vmem>> -> memref<16xi32, #tpu.memory_space<vmem>>
      %dma_start3A_295 = arith.constant 0 : i32
      %dma_start3A_296 = arith.constant 0 : i32
      %dma_start3A_297 = tpu.memref_slice %arg4[%dma_start3A_295, %dma_start3A_296] : memref<50257x1024xf32, #tpu.memory_space<hbm>> -> memref<50257x1024xf32, #tpu.memory_space<hbm>>
      tpu.enqueue_indirect_dma source(%dma_start3A_297 : memref<50257x1024xf32, #tpu.memory_space<hbm>>) target(%arg10 : memref<16x1024xf32, #tpu.memory_space<vmem>>) offsets(%dma_start3A_294 : memref<16xi32, #tpu.memory_space<vmem>>) semaphore(%arg16 : memref<!tpu.dma_semaphore, #tpu.memory_space<semaphore_mem>>)
      %scan3A_298 = arith.constant 0 : i32
      %scan3A_299 = arith.constant 0 : i32
      %scan3A_300 = arith.constant 16 : i32
      %scan3A_301 = arith.addi %scan3A_299, %scan3A_300 : i32
      %scan3A_302 = arith.constant 1 : i32
      scf.for %scan3A_386 = %scan3A_299 to %scan3A_301 step %scan3A_302  : i32 {
        %scan3A_387 = arith.constant 0 : i32
        %scan3A_388 = arith.constant 64 : i32
        %scan3A_389 = arith.addi %scan3A_387, %scan3A_388 : i32
        %scan3A_390 = arith.constant 4 : i32
        scf.for %scan3A_392 = %scan3A_387 to %scan3A_389 step %scan3A_390  : i32 {
          %mul3A_393 = arith.constant 16 : i32
          %mul3A_394 = arith.muli %scan3A_392, %mul3A_393 : i32
          %get3A = arith.index_cast %scan3A_386 : i32 to index
          %get3A_395 = arith.index_cast %mul3A_394 : i32 to index
          %get3A_396 = tpu.vector_load %arg8[%get3A, %get3A_395] {strides = array<i32>} : memref<16x1024xf32, #tpu.memory_space<vmem>>, vector<1x16xf32>,
          %get3A_397 = vector.shape_cast %get3A_396 : vector<1x16xf32> to vector<16xf32>
          %get3A_398 = arith.index_cast %scan3A_386 : i32 to index
          %get3A_399 = arith.index_cast %mul3A_394 : i32 to index
          %get3A_400 = tpu.vector_load %arg12[%get3A_398, %get3A_399] {strides = array<i32>} : memref<16x1024xf32, #tpu.memory_space<vmem>>, vector<1x16xf32>,
          %get3A_401 = vector.shape_cast %get3A_400 : vector<1x16xf32> to vector<16xf32>
          %add3A_402 = arith.addf %get3A_397, %get3A_401 : vector<16xf32>
          %swap3A = arith.index_cast %scan3A_386 : i32 to index
          %swap3A_403 = arith.index_cast %mul3A_394 : i32 to index
          %swap3A_404 = tpu.vector_load %arg8[%swap3A, %swap3A_403] {strides = array<i32>} : memref<16x1024xf32, #tpu.memory_space<vmem>>, vector<1x16xf32>,
          %swap3A_405 = vector.shape_cast %swap3A_404 : vector<1x16xf32> to vector<16xf32>
          %swap3A_406 = vector.shape_cast %add3A_402 : vector<16xf32> to vector<1x16xf32>
          tpu.vector_store %arg8[%swap3A, %swap3A_403], %swap3A_406 {strides = array<i32>} : memref<16x1024xf32, #tpu.memory_space<vmem>>, vector<1x16xf32>,
          %scan3A_407 = arith.constant 1 : i32
          %scan3A_408 = arith.addi %scan3A_392, %scan3A_407 : i32
          %mul3A_409 = arith.constant 16 : i32
          %mul3A_410 = arith.muli %scan3A_408, %mul3A_409 : i32
          %get3A_411 = arith.index_cast %scan3A_386 : i32 to index
          %get3A_412 = arith.index_cast %mul3A_410 : i32 to index
          %get3A_413 = tpu.vector_load %arg8[%get3A_411, %get3A_412] {strides = array<i32>} : memref<16x1024xf32, #tpu.memory_space<vmem>>, vector<1x16xf32>,
          %get3A_414 = vector.shape_cast %get3A_413 : vector<1x16xf32> to vector<16xf32>
          %get3A_415 = arith.index_cast %scan3A_386 : i32 to index
          %get3A_416 = arith.index_cast %mul3A_410 : i32 to index
          %get3A_417 = tpu.vector_load %arg12[%get3A_415, %get3A_416] {strides = array<i32>} : memref<16x1024xf32, #tpu.memory_space<vmem>>, vector<1x16xf32>,
          %get3A_418 = vector.shape_cast %get3A_417 : vector<1x16xf32> to vector<16xf32>
          %add3A_419 = arith.addf %get3A_414, %get3A_418 : vector<16xf32>
          %swap3A_420 = arith.index_cast %scan3A_386 : i32 to index
          %swap3A_421 = arith.index_cast %mul3A_410 : i32 to index
          %swap3A_422 = tpu.vector_load %arg8[%swap3A_420, %swap3A_421] {strides = array<i32>} : memref<16x1024xf32, #tpu.memory_space<vmem>>, vector<1x16xf32>,
          %swap3A_423 = vector.shape_cast %swap3A_422 : vector<1x16xf32> to vector<16xf32>
          %swap3A_424 = vector.shape_cast %add3A_419 : vector<16xf32> to vector<1x16xf32>
          tpu.vector_store %arg8[%swap3A_420, %swap3A_421], %swap3A_424 {strides = array<i32>} : memref<16x1024xf32, #tpu.memory_space<vmem>>, vector<1x16xf32>,
          %scan3A_425 = arith.constant 2 : i32
          %scan3A_426 = arith.addi %scan3A_392, %scan3A_425 : i32
          %mul3A_427 = arith.constant 16 : i32
          %mul3A_428 = arith.muli %scan3A_426, %mul3A_427 : i32
          %get3A_429 = arith.index_cast %scan3A_386 : i32 to index
          %get3A_430 = arith.index_cast %mul3A_428 : i32 to index
          %get3A_431 = tpu.vector_load %arg8[%get3A_429, %get3A_430] {strides = array<i32>} : memref<16x1024xf32, #tpu.memory_space<vmem>>, vector<1x16xf32>,
          %get3A_432 = vector.shape_cast %get3A_431 : vector<1x16xf32> to vector<16xf32>
          %get3A_433 = arith.index_cast %scan3A_386 : i32 to index
          %get3A_434 = arith.index_cast %mul3A_428 : i32 to index
          %get3A_435 = tpu.vector_load %arg12[%get3A_433, %get3A_434] {strides = array<i32>} : memref<16x1024xf32, #tpu.memory_space<vmem>>, vector<1x16xf32>,
          %get3A_436 = vector.shape_cast %get3A_435 : vector<1x16xf32> to vector<16xf32>
          %add3A_437 = arith.addf %get3A_432, %get3A_436 : vector<16xf32>
          %swap3A_438 = arith.index_cast %scan3A_386 : i32 to index
          %swap3A_439 = arith.index_cast %mul3A_428 : i32 to index
          %swap3A_440 = tpu.vector_load %arg8[%swap3A_438, %swap3A_439] {strides = array<i32>} : memref<16x1024xf32, #tpu.memory_space<vmem>>, vector<1x16xf32>,
          %swap3A_441 = vector.shape_cast %swap3A_440 : vector<1x16xf32> to vector<16xf32>
          %swap3A_442 = vector.shape_cast %add3A_437 : vector<16xf32> to vector<1x16xf32>
          tpu.vector_store %arg8[%swap3A_438, %swap3A_439], %swap3A_442 {strides = array<i32>} : memref<16x1024xf32, #tpu.memory_space<vmem>>, vector<1x16xf32>,
          %scan3A_443 = arith.constant 3 : i32
          %scan3A_444 = arith.addi %scan3A_392, %scan3A_443 : i32
          %mul3A_445 = arith.constant 16 : i32
          %mul3A_446 = arith.muli %scan3A_444, %mul3A_445 : i32
          %get3A_447 = arith.index_cast %scan3A_386 : i32 to index
          %get3A_448 = arith.index_cast %mul3A_446 : i32 to index
          %get3A_449 = tpu.vector_load %arg8[%get3A_447, %get3A_448] {strides = array<i32>} : memref<16x1024xf32, #tpu.memory_space<vmem>>, vector<1x16xf32>,
          %get3A_450 = vector.shape_cast %get3A_449 : vector<1x16xf32> to vector<16xf32>
          %get3A_451 = arith.index_cast %scan3A_386 : i32 to index
          %get3A_452 = arith.index_cast %mul3A_446 : i32 to index
          %get3A_453 = tpu.vector_load %arg12[%get3A_451, %get3A_452] {strides = array<i32>} : memref<16x1024xf32, #tpu.memory_space<vmem>>, vector<1x16xf32>,
          %get3A_454 = vector.shape_cast %get3A_453 : vector<1x16xf32> to vector<16xf32>
          %add3A_455 = arith.addf %get3A_450, %get3A_454 : vector<16xf32>
          %swap3A_456 = arith.index_cast %scan3A_386 : i32 to index
          %swap3A_457 = arith.index_cast %mul3A_446 : i32 to index
          %swap3A_458 = tpu.vector_load %arg8[%swap3A_456, %swap3A_457] {strides = array<i32>} : memref<16x1024xf32, #tpu.memory_space<vmem>>, vector<1x16xf32>,
          %swap3A_459 = vector.shape_cast %swap3A_458 : vector<1x16xf32> to vector<16xf32>
          %swap3A_460 = vector.shape_cast %add3A_455 : vector<16xf32> to vector<1x16xf32>
          tpu.vector_store %arg8[%swap3A_456, %swap3A_457], %swap3A_460 {strides = array<i32>} : memref<16x1024xf32, #tpu.memory_space<vmem>>, vector<1x16xf32>,
        }
        %scan3A_391 = arith.constant 64 : i32
      }
      %scan3A_303 = arith.constant 16 : i32
      %mul3A_304 = arith.constant 16 : i32
      %mul3A_305 = arith.muli %add3A_224, %mul3A_304 : i32
      %add3A_306 = arith.addi %mul3A_2, %mul3A_305 : i32
      %dma_start3A_307 = arith.constant 1 : i32
      %dma_start3A_308 = arith.constant 0 : i32
      %dma_start3A_309 = tpu.memref_slice %arg5[%dma_start3A_307, %add3A_306, %dma_start3A_308] : memref<4x4096x1024xf32, #tpu.memory_space<hbm>> -> memref<1x16x1024xf32, #tpu.memory_space<hbm>>
      %dma_start3A_310 = tpu.memref_squeeze %dma_start3A_309 : memref<1x16x1024xf32, #tpu.memory_space<hbm>> -> memref<16x1024xf32, #tpu.memory_space<hbm>>
      %dma_start3A_311 = arith.constant 0 : i32
      %dma_start3A_312 = tpu.memref_slice %arg5[%dma_start3A_307, %add3A_306, %dma_start3A_311] : memref<4x4096x1024xf32, #tpu.memory_space<hbm>> -> memref<1x16x1024xf32, #tpu.memory_space<hbm>>
      %dma_start3A_313 = tpu.memref_squeeze %dma_start3A_312 : memref<1x16x1024xf32, #tpu.memory_space<hbm>> -> memref<16x1024xf32, #tpu.memory_space<hbm>>
      tpu.enqueue_dma source(%arg8 : memref<16x1024xf32, #tpu.memory_space<vmem>>) target(%dma_start3A_313 : memref<16x1024xf32, #tpu.memory_space<hbm>>) target_semaphore(%arg18 : memref<!tpu.dma_semaphore, #tpu.memory_space<semaphore_mem>>)
      %mul3A_314 = arith.constant 16 : i32
      %mul3A_315 = arith.muli %add3A_224, %mul3A_314 : i32
      %dma_wait3A_316 = arith.constant 2 : i32
      %dma_wait3A_317 = tpu.memref_slice %arg6[%dma_wait3A_316, %mul3A_315] : memref<4x128xi32, #tpu.memory_space<vmem>> -> memref<1x16xi32, #tpu.memory_space<vmem>>
      %dma_wait3A_318 = tpu.memref_squeeze %dma_wait3A_317 : memref<1x16xi32, #tpu.memory_space<vmem>> -> memref<16xi32, #tpu.memory_space<vmem>>
      %dma_wait3A_319 = arith.constant 0 : i32
      %dma_wait3A_320 = arith.constant 0 : i32
      %dma_wait3A_321 = tpu.memref_slice %arg4[%dma_wait3A_319, %dma_wait3A_320] : memref<50257x1024xf32, #tpu.memory_space<hbm>> -> memref<50257x1024xf32, #tpu.memory_space<hbm>>
      tpu.wait_indirect_dma semaphore(%arg15 : memref<!tpu.dma_semaphore, #tpu.memory_space<semaphore_mem>>) src(%dma_wait3A_321 : memref<50257x1024xf32, #tpu.memory_space<hbm>>) dst(%arg9 : memref<16x1024xf32, #tpu.memory_space<vmem>>)
      %dma_wait3A_322 = arith.constant 0 : i32
      %dma_wait3A_323 = arith.constant 0 : i32
      %dma_wait3A_324 = tpu.memref_slice %arg5[%dma_wait3A_322, %mul3A_2, %dma_wait3A_323] : memref<4x4096x1024xf32, #tpu.memory_space<hbm>> -> memref<1x16x1024xf32, #tpu.memory_space<hbm>>
      %dma_wait3A_325 = tpu.memref_squeeze %dma_wait3A_324 : memref<1x16x1024xf32, #tpu.memory_space<hbm>> -> memref<16x1024xf32, #tpu.memory_space<hbm>>
      %dma_wait3A_326 = arith.constant 0 : i32
      %dma_wait3A_327 = tpu.memref_slice %arg5[%dma_wait3A_322, %mul3A_2, %dma_wait3A_326] : memref<4x4096x1024xf32, #tpu.memory_space<hbm>> -> memref<1x16x1024xf32, #tpu.memory_space<hbm>>
      %dma_wait3A_328 = tpu.memref_squeeze %dma_wait3A_327 : memref<1x16x1024xf32, #tpu.memory_space<hbm>> -> memref<16x1024xf32, #tpu.memory_space<hbm>>
      tpu.wait_dma2 semaphore(%arg17 : memref<!tpu.dma_semaphore, #tpu.memory_space<semaphore_mem>>) src(%arg7 : memref<16x1024xf32, #tpu.memory_space<vmem>>) dst(%dma_wait3A_328 : memref<16x1024xf32, #tpu.memory_space<hbm>>)
      %lt3A_329 = arith.constant 3 : i32
      %lt3A_330 = arith.cmpi slt, %scan3A_47, %lt3A_329 : i32
      %convert_element_type3A_331 = arith.extui %lt3A_330 : i1 to i32
      %cond3A_332 = arith.constant 0 : i32
      %cond3A_333 = arith.cmpi ne, %convert_element_type3A_331, %cond3A_332 : i32
      scf.if %cond3A_333 {
        %add3A_386 = arith.constant 1 : i32
        %add3A_387 = arith.addi %add3A_224, %add3A_386 : i32
        %mul3A_388 = arith.constant 16 : i32
        %mul3A_389 = arith.muli %add3A_387, %mul3A_388 : i32
        %dma_start3A_390 = arith.constant 0 : i32
        %dma_start3A_391 = tpu.memref_slice %arg6[%dma_start3A_390, %mul3A_389] : memref<4x128xi32, #tpu.memory_space<vmem>> -> memref<1x16xi32, #tpu.memory_space<vmem>>
        %dma_start3A_392 = tpu.memref_squeeze %dma_start3A_391 : memref<1x16xi32, #tpu.memory_space<vmem>> -> memref<16xi32, #tpu.memory_space<vmem>>
        %dma_start3A_393 = arith.constant 0 : i32
        %dma_start3A_394 = arith.constant 0 : i32
        %dma_start3A_395 = tpu.memref_slice %arg4[%dma_start3A_393, %dma_start3A_394] : memref<50257x1024xf32, #tpu.memory_space<hbm>> -> memref<50257x1024xf32, #tpu.memory_space<hbm>>
        tpu.enqueue_indirect_dma source(%dma_start3A_395 : memref<50257x1024xf32, #tpu.memory_space<hbm>>) target(%arg7 : memref<16x1024xf32, #tpu.memory_space<vmem>>) offsets(%dma_start3A_392 : memref<16xi32, #tpu.memory_space<vmem>>) semaphore(%arg13 : memref<!tpu.dma_semaphore, #tpu.memory_space<semaphore_mem>>)
      } else {
      }
      %scan3A_334 = arith.constant 0 : i32
      %scan3A_335 = arith.constant 0 : i32
      %scan3A_336 = arith.constant 16 : i32
      %scan3A_337 = arith.addi %scan3A_335, %scan3A_336 : i32
      %scan3A_338 = arith.constant 1 : i32
      scf.for %scan3A_386 = %scan3A_335 to %scan3A_337 step %scan3A_338  : i32 {
        %scan3A_387 = arith.constant 0 : i32
        %scan3A_388 = arith.constant 64 : i32
        %scan3A_389 = arith.addi %scan3A_387, %scan3A_388 : i32
        %scan3A_390 = arith.constant 4 : i32
        scf.for %scan3A_392 = %scan3A_387 to %scan3A_389 step %scan3A_390  : i32 {
          %mul3A_393 = arith.constant 16 : i32
          %mul3A_394 = arith.muli %scan3A_392, %mul3A_393 : i32
          %get3A = arith.index_cast %scan3A_386 : i32 to index
          %get3A_395 = arith.index_cast %mul3A_394 : i32 to index
          %get3A_396 = tpu.vector_load %arg9[%get3A, %get3A_395] {strides = array<i32>} : memref<16x1024xf32, #tpu.memory_space<vmem>>, vector<1x16xf32>,
          %get3A_397 = vector.shape_cast %get3A_396 : vector<1x16xf32> to vector<16xf32>
          %get3A_398 = arith.index_cast %scan3A_386 : i32 to index
          %get3A_399 = arith.index_cast %mul3A_394 : i32 to index
          %get3A_400 = tpu.vector_load %arg12[%get3A_398, %get3A_399] {strides = array<i32>} : memref<16x1024xf32, #tpu.memory_space<vmem>>, vector<1x16xf32>,
          %get3A_401 = vector.shape_cast %get3A_400 : vector<1x16xf32> to vector<16xf32>
          %add3A_402 = arith.addf %get3A_397, %get3A_401 : vector<16xf32>
          %swap3A = arith.index_cast %scan3A_386 : i32 to index
          %swap3A_403 = arith.index_cast %mul3A_394 : i32 to index
          %swap3A_404 = tpu.vector_load %arg9[%swap3A, %swap3A_403] {strides = array<i32>} : memref<16x1024xf32, #tpu.memory_space<vmem>>, vector<1x16xf32>,
          %swap3A_405 = vector.shape_cast %swap3A_404 : vector<1x16xf32> to vector<16xf32>
          %swap3A_406 = vector.shape_cast %add3A_402 : vector<16xf32> to vector<1x16xf32>
          tpu.vector_store %arg9[%swap3A, %swap3A_403], %swap3A_406 {strides = array<i32>} : memref<16x1024xf32, #tpu.memory_space<vmem>>, vector<1x16xf32>,
          %scan3A_407 = arith.constant 1 : i32
          %scan3A_408 = arith.addi %scan3A_392, %scan3A_407 : i32
          %mul3A_409 = arith.constant 16 : i32
          %mul3A_410 = arith.muli %scan3A_408, %mul3A_409 : i32
          %get3A_411 = arith.index_cast %scan3A_386 : i32 to index
          %get3A_412 = arith.index_cast %mul3A_410 : i32 to index
          %get3A_413 = tpu.vector_load %arg9[%get3A_411, %get3A_412] {strides = array<i32>} : memref<16x1024xf32, #tpu.memory_space<vmem>>, vector<1x16xf32>,
          %get3A_414 = vector.shape_cast %get3A_413 : vector<1x16xf32> to vector<16xf32>
          %get3A_415 = arith.index_cast %scan3A_386 : i32 to index
          %get3A_416 = arith.index_cast %mul3A_410 : i32 to index
          %get3A_417 = tpu.vector_load %arg12[%get3A_415, %get3A_416] {strides = array<i32>} : memref<16x1024xf32, #tpu.memory_space<vmem>>, vector<1x16xf32>,
          %get3A_418 = vector.shape_cast %get3A_417 : vector<1x16xf32> to vector<16xf32>
          %add3A_419 = arith.addf %get3A_414, %get3A_418 : vector<16xf32>
          %swap3A_420 = arith.index_cast %scan3A_386 : i32 to index
          %swap3A_421 = arith.index_cast %mul3A_410 : i32 to index
          %swap3A_422 = tpu.vector_load %arg9[%swap3A_420, %swap3A_421] {strides = array<i32>} : memref<16x1024xf32, #tpu.memory_space<vmem>>, vector<1x16xf32>,
          %swap3A_423 = vector.shape_cast %swap3A_422 : vector<1x16xf32> to vector<16xf32>
          %swap3A_424 = vector.shape_cast %add3A_419 : vector<16xf32> to vector<1x16xf32>
          tpu.vector_store %arg9[%swap3A_420, %swap3A_421], %swap3A_424 {strides = array<i32>} : memref<16x1024xf32, #tpu.memory_space<vmem>>, vector<1x16xf32>,
          %scan3A_425 = arith.constant 2 : i32
          %scan3A_426 = arith.addi %scan3A_392, %scan3A_425 : i32
          %mul3A_427 = arith.constant 16 : i32
          %mul3A_428 = arith.muli %scan3A_426, %mul3A_427 : i32
          %get3A_429 = arith.index_cast %scan3A_386 : i32 to index
          %get3A_430 = arith.index_cast %mul3A_428 : i32 to index
          %get3A_431 = tpu.vector_load %arg9[%get3A_429, %get3A_430] {strides = array<i32>} : memref<16x1024xf32, #tpu.memory_space<vmem>>, vector<1x16xf32>,
          %get3A_432 = vector.shape_cast %get3A_431 : vector<1x16xf32> to vector<16xf32>
          %get3A_433 = arith.index_cast %scan3A_386 : i32 to index
          %get3A_434 = arith.index_cast %mul3A_428 : i32 to index
          %get3A_435 = tpu.vector_load %arg12[%get3A_433, %get3A_434] {strides = array<i32>} : memref<16x1024xf32, #tpu.memory_space<vmem>>, vector<1x16xf32>,
          %get3A_436 = vector.shape_cast %get3A_435 : vector<1x16xf32> to vector<16xf32>
          %add3A_437 = arith.addf %get3A_432, %get3A_436 : vector<16xf32>
          %swap3A_438 = arith.index_cast %scan3A_386 : i32 to index
          %swap3A_439 = arith.index_cast %mul3A_428 : i32 to index
          %swap3A_440 = tpu.vector_load %arg9[%swap3A_438, %swap3A_439] {strides = array<i32>} : memref<16x1024xf32, #tpu.memory_space<vmem>>, vector<1x16xf32>,
          %swap3A_441 = vector.shape_cast %swap3A_440 : vector<1x16xf32> to vector<16xf32>
          %swap3A_442 = vector.shape_cast %add3A_437 : vector<16xf32> to vector<1x16xf32>
          tpu.vector_store %arg9[%swap3A_438, %swap3A_439], %swap3A_442 {strides = array<i32>} : memref<16x1024xf32, #tpu.memory_space<vmem>>, vector<1x16xf32>,
          %scan3A_443 = arith.constant 3 : i32
          %scan3A_444 = arith.addi %scan3A_392, %scan3A_443 : i32
          %mul3A_445 = arith.constant 16 : i32
          %mul3A_446 = arith.muli %scan3A_444, %mul3A_445 : i32
          %get3A_447 = arith.index_cast %scan3A_386 : i32 to index
          %get3A_448 = arith.index_cast %mul3A_446 : i32 to index
          %get3A_449 = tpu.vector_load %arg9[%get3A_447, %get3A_448] {strides = array<i32>} : memref<16x1024xf32, #tpu.memory_space<vmem>>, vector<1x16xf32>,
          %get3A_450 = vector.shape_cast %get3A_449 : vector<1x16xf32> to vector<16xf32>
          %get3A_451 = arith.index_cast %scan3A_386 : i32 to index
          %get3A_452 = arith.index_cast %mul3A_446 : i32 to index
          %get3A_453 = tpu.vector_load %arg12[%get3A_451, %get3A_452] {strides = array<i32>} : memref<16x1024xf32, #tpu.memory_space<vmem>>, vector<1x16xf32>,
          %get3A_454 = vector.shape_cast %get3A_453 : vector<1x16xf32> to vector<16xf32>
          %add3A_455 = arith.addf %get3A_450, %get3A_454 : vector<16xf32>
          %swap3A_456 = arith.index_cast %scan3A_386 : i32 to index
          %swap3A_457 = arith.index_cast %mul3A_446 : i32 to index
          %swap3A_458 = tpu.vector_load %arg9[%swap3A_456, %swap3A_457] {strides = array<i32>} : memref<16x1024xf32, #tpu.memory_space<vmem>>, vector<1x16xf32>,
          %swap3A_459 = vector.shape_cast %swap3A_458 : vector<1x16xf32> to vector<16xf32>
          %swap3A_460 = vector.shape_cast %add3A_455 : vector<16xf32> to vector<1x16xf32>
          tpu.vector_store %arg9[%swap3A_456, %swap3A_457], %swap3A_460 {strides = array<i32>} : memref<16x1024xf32, #tpu.memory_space<vmem>>, vector<1x16xf32>,
        }
        %scan3A_391 = arith.constant 64 : i32
      }
      %scan3A_339 = arith.constant 16 : i32
      %mul3A_340 = arith.constant 16 : i32
      %mul3A_341 = arith.muli %add3A_224, %mul3A_340 : i32
      %add3A_342 = arith.addi %mul3A_2, %mul3A_341 : i32
      %dma_start3A_343 = arith.constant 2 : i32
      %dma_start3A_344 = arith.constant 0 : i32
      %dma_start3A_345 = tpu.memref_slice %arg5[%dma_start3A_343, %add3A_342, %dma_start3A_344] : memref<4x4096x1024xf32, #tpu.memory_space<hbm>> -> memref<1x16x1024xf32, #tpu.memory_space<hbm>>
      %dma_start3A_346 = tpu.memref_squeeze %dma_start3A_345 : memref<1x16x1024xf32, #tpu.memory_space<hbm>> -> memref<16x1024xf32, #tpu.memory_space<hbm>>
      %dma_start3A_347 = arith.constant 0 : i32
      %dma_start3A_348 = tpu.memref_slice %arg5[%dma_start3A_343, %add3A_342, %dma_start3A_347] : memref<4x4096x1024xf32, #tpu.memory_space<hbm>> -> memref<1x16x1024xf32, #tpu.memory_space<hbm>>
      %dma_start3A_349 = tpu.memref_squeeze %dma_start3A_348 : memref<1x16x1024xf32, #tpu.memory_space<hbm>> -> memref<16x1024xf32, #tpu.memory_space<hbm>>
      tpu.enqueue_dma source(%arg9 : memref<16x1024xf32, #tpu.memory_space<vmem>>) target(%dma_start3A_349 : memref<16x1024xf32, #tpu.memory_space<hbm>>) target_semaphore(%arg19 : memref<!tpu.dma_semaphore, #tpu.memory_space<semaphore_mem>>)
      %mul3A_350 = arith.constant 16 : i32
      %mul3A_351 = arith.muli %add3A_224, %mul3A_350 : i32
      %dma_wait3A_352 = arith.constant 3 : i32
      %dma_wait3A_353 = tpu.memref_slice %arg6[%dma_wait3A_352, %mul3A_351] : memref<4x128xi32, #tpu.memory_space<vmem>> -> memref<1x16xi32, #tpu.memory_space<vmem>>
      %dma_wait3A_354 = tpu.memref_squeeze %dma_wait3A_353 : memref<1x16xi32, #tpu.memory_space<vmem>> -> memref<16xi32, #tpu.memory_space<vmem>>
      %dma_wait3A_355 = arith.constant 0 : i32
      %dma_wait3A_356 = arith.constant 0 : i32
      %dma_wait3A_357 = tpu.memref_slice %arg4[%dma_wait3A_355, %dma_wait3A_356] : memref<50257x1024xf32, #tpu.memory_space<hbm>> -> memref<50257x1024xf32, #tpu.memory_space<hbm>>
      tpu.wait_indirect_dma semaphore(%arg16 : memref<!tpu.dma_semaphore, #tpu.memory_space<semaphore_mem>>) src(%dma_wait3A_357 : memref<50257x1024xf32, #tpu.memory_space<hbm>>) dst(%arg10 : memref<16x1024xf32, #tpu.memory_space<vmem>>)
      %dma_wait3A_358 = arith.constant 0 : i32
      %dma_wait3A_359 = arith.constant 0 : i32
      %dma_wait3A_360 = tpu.memref_slice %arg5[%dma_wait3A_358, %mul3A_2, %dma_wait3A_359] : memref<4x4096x1024xf32, #tpu.memory_space<hbm>> -> memref<1x16x1024xf32, #tpu.memory_space<hbm>>
      %dma_wait3A_361 = tpu.memref_squeeze %dma_wait3A_360 : memref<1x16x1024xf32, #tpu.memory_space<hbm>> -> memref<16x1024xf32, #tpu.memory_space<hbm>>
      %dma_wait3A_362 = arith.constant 0 : i32
      %dma_wait3A_363 = tpu.memref_slice %arg5[%dma_wait3A_358, %mul3A_2, %dma_wait3A_362] : memref<4x4096x1024xf32, #tpu.memory_space<hbm>> -> memref<1x16x1024xf32, #tpu.memory_space<hbm>>
      %dma_wait3A_364 = tpu.memref_squeeze %dma_wait3A_363 : memref<1x16x1024xf32, #tpu.memory_space<hbm>> -> memref<16x1024xf32, #tpu.memory_space<hbm>>
      tpu.wait_dma2 semaphore(%arg18 : memref<!tpu.dma_semaphore, #tpu.memory_space<semaphore_mem>>) src(%arg8 : memref<16x1024xf32, #tpu.memory_space<vmem>>) dst(%dma_wait3A_364 : memref<16x1024xf32, #tpu.memory_space<hbm>>)
      %lt3A_365 = arith.constant 3 : i32
      %lt3A_366 = arith.cmpi slt, %scan3A_47, %lt3A_365 : i32
      %convert_element_type3A_367 = arith.extui %lt3A_366 : i1 to i32
      %cond3A_368 = arith.constant 0 : i32
      %cond3A_369 = arith.cmpi ne, %convert_element_type3A_367, %cond3A_368 : i32
      scf.if %cond3A_369 {
        %add3A_386 = arith.constant 1 : i32
        %add3A_387 = arith.addi %add3A_224, %add3A_386 : i32
        %mul3A_388 = arith.constant 16 : i32
        %mul3A_389 = arith.muli %add3A_387, %mul3A_388 : i32
        %dma_start3A_390 = arith.constant 1 : i32
        %dma_start3A_391 = tpu.memref_slice %arg6[%dma_start3A_390, %mul3A_389] : memref<4x128xi32, #tpu.memory_space<vmem>> -> memref<1x16xi32, #tpu.memory_space<vmem>>
        %dma_start3A_392 = tpu.memref_squeeze %dma_start3A_391 : memref<1x16xi32, #tpu.memory_space<vmem>> -> memref<16xi32, #tpu.memory_space<vmem>>
        %dma_start3A_393 = arith.constant 0 : i32
        %dma_start3A_394 = arith.constant 0 : i32
        %dma_start3A_395 = tpu.memref_slice %arg4[%dma_start3A_393, %dma_start3A_394] : memref<50257x1024xf32, #tpu.memory_space<hbm>> -> memref<50257x1024xf32, #tpu.memory_space<hbm>>
        tpu.enqueue_indirect_dma source(%dma_start3A_395 : memref<50257x1024xf32, #tpu.memory_space<hbm>>) target(%arg8 : memref<16x1024xf32, #tpu.memory_space<vmem>>) offsets(%dma_start3A_392 : memref<16xi32, #tpu.memory_space<vmem>>) semaphore(%arg14 : memref<!tpu.dma_semaphore, #tpu.memory_space<semaphore_mem>>)
      } else {
      }
      %scan3A_370 = arith.constant 0 : i32
      %scan3A_371 = arith.constant 0 : i32
      %scan3A_372 = arith.constant 16 : i32
      %scan3A_373 = arith.addi %scan3A_371, %scan3A_372 : i32
      %scan3A_374 = arith.constant 1 : i32
      scf.for %scan3A_386 = %scan3A_371 to %scan3A_373 step %scan3A_374  : i32 {
        %scan3A_387 = arith.constant 0 : i32
        %scan3A_388 = arith.constant 64 : i32
        %scan3A_389 = arith.addi %scan3A_387, %scan3A_388 : i32
        %scan3A_390 = arith.constant 4 : i32
        scf.for %scan3A_392 = %scan3A_387 to %scan3A_389 step %scan3A_390  : i32 {
          %mul3A_393 = arith.constant 16 : i32
          %mul3A_394 = arith.muli %scan3A_392, %mul3A_393 : i32
          %get3A = arith.index_cast %scan3A_386 : i32 to index
          %get3A_395 = arith.index_cast %mul3A_394 : i32 to index
          %get3A_396 = tpu.vector_load %arg10[%get3A, %get3A_395] {strides = array<i32>} : memref<16x1024xf32, #tpu.memory_space<vmem>>, vector<1x16xf32>,
          %get3A_397 = vector.shape_cast %get3A_396 : vector<1x16xf32> to vector<16xf32>
          %get3A_398 = arith.index_cast %scan3A_386 : i32 to index
          %get3A_399 = arith.index_cast %mul3A_394 : i32 to index
          %get3A_400 = tpu.vector_load %arg12[%get3A_398, %get3A_399] {strides = array<i32>} : memref<16x1024xf32, #tpu.memory_space<vmem>>, vector<1x16xf32>,
          %get3A_401 = vector.shape_cast %get3A_400 : vector<1x16xf32> to vector<16xf32>
          %add3A_402 = arith.addf %get3A_397, %get3A_401 : vector<16xf32>
          %swap3A = arith.index_cast %scan3A_386 : i32 to index
          %swap3A_403 = arith.index_cast %mul3A_394 : i32 to index
          %swap3A_404 = tpu.vector_load %arg10[%swap3A, %swap3A_403] {strides = array<i32>} : memref<16x1024xf32, #tpu.memory_space<vmem>>, vector<1x16xf32>,
          %swap3A_405 = vector.shape_cast %swap3A_404 : vector<1x16xf32> to vector<16xf32>
          %swap3A_406 = vector.shape_cast %add3A_402 : vector<16xf32> to vector<1x16xf32>
          tpu.vector_store %arg10[%swap3A, %swap3A_403], %swap3A_406 {strides = array<i32>} : memref<16x1024xf32, #tpu.memory_space<vmem>>, vector<1x16xf32>,
          %scan3A_407 = arith.constant 1 : i32
          %scan3A_408 = arith.addi %scan3A_392, %scan3A_407 : i32
          %mul3A_409 = arith.constant 16 : i32
          %mul3A_410 = arith.muli %scan3A_408, %mul3A_409 : i32
          %get3A_411 = arith.index_cast %scan3A_386 : i32 to index
          %get3A_412 = arith.index_cast %mul3A_410 : i32 to index
          %get3A_413 = tpu.vector_load %arg10[%get3A_411, %get3A_412] {strides = array<i32>} : memref<16x1024xf32, #tpu.memory_space<vmem>>, vector<1x16xf32>,
          %get3A_414 = vector.shape_cast %get3A_413 : vector<1x16xf32> to vector<16xf32>
          %get3A_415 = arith.index_cast %scan3A_386 : i32 to index
          %get3A_416 = arith.index_cast %mul3A_410 : i32 to index
          %get3A_417 = tpu.vector_load %arg12[%get3A_415, %get3A_416] {strides = array<i32>} : memref<16x1024xf32, #tpu.memory_space<vmem>>, vector<1x16xf32>,
          %get3A_418 = vector.shape_cast %get3A_417 : vector<1x16xf32> to vector<16xf32>
          %add3A_419 = arith.addf %get3A_414, %get3A_418 : vector<16xf32>
          %swap3A_420 = arith.index_cast %scan3A_386 : i32 to index
          %swap3A_421 = arith.index_cast %mul3A_410 : i32 to index
          %swap3A_422 = tpu.vector_load %arg10[%swap3A_420, %swap3A_421] {strides = array<i32>} : memref<16x1024xf32, #tpu.memory_space<vmem>>, vector<1x16xf32>,
          %swap3A_423 = vector.shape_cast %swap3A_422 : vector<1x16xf32> to vector<16xf32>
          %swap3A_424 = vector.shape_cast %add3A_419 : vector<16xf32> to vector<1x16xf32>
          tpu.vector_store %arg10[%swap3A_420, %swap3A_421], %swap3A_424 {strides = array<i32>} : memref<16x1024xf32, #tpu.memory_space<vmem>>, vector<1x16xf32>,
          %scan3A_425 = arith.constant 2 : i32
          %scan3A_426 = arith.addi %scan3A_392, %scan3A_425 : i32
          %mul3A_427 = arith.constant 16 : i32
          %mul3A_428 = arith.muli %scan3A_426, %mul3A_427 : i32
          %get3A_429 = arith.index_cast %scan3A_386 : i32 to index
          %get3A_430 = arith.index_cast %mul3A_428 : i32 to index
          %get3A_431 = tpu.vector_load %arg10[%get3A_429, %get3A_430] {strides = array<i32>} : memref<16x1024xf32, #tpu.memory_space<vmem>>, vector<1x16xf32>,
          %get3A_432 = vector.shape_cast %get3A_431 : vector<1x16xf32> to vector<16xf32>
          %get3A_433 = arith.index_cast %scan3A_386 : i32 to index
          %get3A_434 = arith.index_cast %mul3A_428 : i32 to index
          %get3A_435 = tpu.vector_load %arg12[%get3A_433, %get3A_434] {strides = array<i32>} : memref<16x1024xf32, #tpu.memory_space<vmem>>, vector<1x16xf32>,
          %get3A_436 = vector.shape_cast %get3A_435 : vector<1x16xf32> to vector<16xf32>
          %add3A_437 = arith.addf %get3A_432, %get3A_436 : vector<16xf32>
          %swap3A_438 = arith.index_cast %scan3A_386 : i32 to index
          %swap3A_439 = arith.index_cast %mul3A_428 : i32 to index
          %swap3A_440 = tpu.vector_load %arg10[%swap3A_438, %swap3A_439] {strides = array<i32>} : memref<16x1024xf32, #tpu.memory_space<vmem>>, vector<1x16xf32>,
          %swap3A_441 = vector.shape_cast %swap3A_440 : vector<1x16xf32> to vector<16xf32>
          %swap3A_442 = vector.shape_cast %add3A_437 : vector<16xf32> to vector<1x16xf32>
          tpu.vector_store %arg10[%swap3A_438, %swap3A_439], %swap3A_442 {strides = array<i32>} : memref<16x1024xf32, #tpu.memory_space<vmem>>, vector<1x16xf32>,
          %scan3A_443 = arith.constant 3 : i32
          %scan3A_444 = arith.addi %scan3A_392, %scan3A_443 : i32
          %mul3A_445 = arith.constant 16 : i32
          %mul3A_446 = arith.muli %scan3A_444, %mul3A_445 : i32
          %get3A_447 = arith.index_cast %scan3A_386 : i32 to index
          %get3A_448 = arith.index_cast %mul3A_446 : i32 to index
          %get3A_449 = tpu.vector_load %arg10[%get3A_447, %get3A_448] {strides = array<i32>} : memref<16x1024xf32, #tpu.memory_space<vmem>>, vector<1x16xf32>,
          %get3A_450 = vector.shape_cast %get3A_449 : vector<1x16xf32> to vector<16xf32>
          %get3A_451 = arith.index_cast %scan3A_386 : i32 to index
          %get3A_452 = arith.index_cast %mul3A_446 : i32 to index
          %get3A_453 = tpu.vector_load %arg12[%get3A_451, %get3A_452] {strides = array<i32>} : memref<16x1024xf32, #tpu.memory_space<vmem>>, vector<1x16xf32>,
          %get3A_454 = vector.shape_cast %get3A_453 : vector<1x16xf32> to vector<16xf32>
          %add3A_455 = arith.addf %get3A_450, %get3A_454 : vector<16xf32>
          %swap3A_456 = arith.index_cast %scan3A_386 : i32 to index
          %swap3A_457 = arith.index_cast %mul3A_446 : i32 to index
          %swap3A_458 = tpu.vector_load %arg10[%swap3A_456, %swap3A_457] {strides = array<i32>} : memref<16x1024xf32, #tpu.memory_space<vmem>>, vector<1x16xf32>,
          %swap3A_459 = vector.shape_cast %swap3A_458 : vector<1x16xf32> to vector<16xf32>
          %swap3A_460 = vector.shape_cast %add3A_455 : vector<16xf32> to vector<1x16xf32>
          tpu.vector_store %arg10[%swap3A_456, %swap3A_457], %swap3A_460 {strides = array<i32>} : memref<16x1024xf32, #tpu.memory_space<vmem>>, vector<1x16xf32>,
        }
        %scan3A_391 = arith.constant 64 : i32
      }
      %scan3A_375 = arith.constant 16 : i32
      %mul3A_376 = arith.constant 16 : i32
      %mul3A_377 = arith.muli %add3A_224, %mul3A_376 : i32
      %add3A_378 = arith.addi %mul3A_2, %mul3A_377 : i32
      %dma_start3A_379 = arith.constant 3 : i32
      %dma_start3A_380 = arith.constant 0 : i32
      %dma_start3A_381 = tpu.memref_slice %arg5[%dma_start3A_379, %add3A_378, %dma_start3A_380] : memref<4x4096x1024xf32, #tpu.memory_space<hbm>> -> memref<1x16x1024xf32, #tpu.memory_space<hbm>>
      %dma_start3A_382 = tpu.memref_squeeze %dma_start3A_381 : memref<1x16x1024xf32, #tpu.memory_space<hbm>> -> memref<16x1024xf32, #tpu.memory_space<hbm>>
      %dma_start3A_383 = arith.constant 0 : i32
      %dma_start3A_384 = tpu.memref_slice %arg5[%dma_start3A_379, %add3A_378, %dma_start3A_383] : memref<4x4096x1024xf32, #tpu.memory_space<hbm>> -> memref<1x16x1024xf32, #tpu.memory_space<hbm>>
      %dma_start3A_385 = tpu.memref_squeeze %dma_start3A_384 : memref<1x16x1024xf32, #tpu.memory_space<hbm>> -> memref<16x1024xf32, #tpu.memory_space<hbm>>
      tpu.enqueue_dma source(%arg10 : memref<16x1024xf32, #tpu.memory_space<vmem>>) target(%dma_start3A_385 : memref<16x1024xf32, #tpu.memory_space<hbm>>) target_semaphore(%arg20 : memref<!tpu.dma_semaphore, #tpu.memory_space<semaphore_mem>>)
    }
    %scan3A_33 = arith.constant 4 : i32
    %dma_wait3A = arith.constant 0 : i32
    %dma_wait3A_34 = arith.constant 0 : i32
    %dma_wait3A_35 = tpu.memref_slice %arg5[%dma_wait3A, %mul3A_2, %dma_wait3A_34] : memref<4x4096x1024xf32, #tpu.memory_space<hbm>> -> memref<1x16x1024xf32, #tpu.memory_space<hbm>>
    %dma_wait3A_36 = tpu.memref_squeeze %dma_wait3A_35 : memref<1x16x1024xf32, #tpu.memory_space<hbm>> -> memref<16x1024xf32, #tpu.memory_space<hbm>>
    %dma_wait3A_37 = arith.constant 0 : i32
    %dma_wait3A_38 = tpu.memref_slice %arg5[%dma_wait3A, %mul3A_2, %dma_wait3A_37] : memref<4x4096x1024xf32, #tpu.memory_space<hbm>> -> memref<1x16x1024xf32, #tpu.memory_space<hbm>>
    %dma_wait3A_39 = tpu.memref_squeeze %dma_wait3A_38 : memref<1x16x1024xf32, #tpu.memory_space<hbm>> -> memref<16x1024xf32, #tpu.memory_space<hbm>>
    tpu.wait_dma2 semaphore(%arg19 : memref<!tpu.dma_semaphore, #tpu.memory_space<semaphore_mem>>) src(%arg9 : memref<16x1024xf32, #tpu.memory_space<vmem>>) dst(%dma_wait3A_39 : memref<16x1024xf32, #tpu.memory_space<hbm>>)
    %dma_wait3A_40 = arith.constant 0 : i32
    %dma_wait3A_41 = arith.constant 0 : i32
    %dma_wait3A_42 = tpu.memref_slice %arg5[%dma_wait3A_40, %mul3A_2, %dma_wait3A_41] : memref<4x4096x1024xf32, #tpu.memory_space<hbm>> -> memref<1x16x1024xf32, #tpu.memory_space<hbm>>
    %dma_wait3A_43 = tpu.memref_squeeze %dma_wait3A_42 : memref<1x16x1024xf32, #tpu.memory_space<hbm>> -> memref<16x1024xf32, #tpu.memory_space<hbm>>
    %dma_wait3A_44 = arith.constant 0 : i32
    %dma_wait3A_45 = tpu.memref_slice %arg5[%dma_wait3A_40, %mul3A_2, %dma_wait3A_44] : memref<4x4096x1024xf32, #tpu.memory_space<hbm>> -> memref<1x16x1024xf32, #tpu.memory_space<hbm>>
    %dma_wait3A_46 = tpu.memref_squeeze %dma_wait3A_45 : memref<1x16x1024xf32, #tpu.memory_space<hbm>> -> memref<16x1024xf32, #tpu.memory_space<hbm>>
    tpu.wait_dma2 semaphore(%arg20 : memref<!tpu.dma_semaphore, #tpu.memory_space<semaphore_mem>>) src(%arg10 : memref<16x1024xf32, #tpu.memory_space<vmem>>) dst(%dma_wait3A_46 : memref<16x1024xf32, #tpu.memory_space<hbm>>)
    return
  }
}

</mosaic_0001>

<sc_bundles>
// kernel: kernel.3.cloned.1.call-start
scs
__scs_entry_jumppad:
0x0: {  	(pc) =	sbr.rel $0x88, $3  }
0x1: {  	(tag) =	ssettag $0x0;
	lr =	simm.s32 $0x1  }
0x2: {  	[smem:$0x3F9E] =	sst lr;
	_ =	strace $0xD0000000  }
0x3: {  	_ = 	snop  }
0x4: {  	_ = 	snop  }
0x5: {  	_ = 	snop  }
0x6: {  	_ = 	snop  }
0x7: {  	_ = 	snop  }
__scs_overlays_trampoline_lowered:
0x8: {  	[smem:$0x3FAD] =	sst s0  }
0x9: {  	[smem:$0x3FAE] =	sst s1  }
0xa: {  	[smem:$0x3FAF] =	sst s2  }
0xb: {  	[smem:$0x3FB0] =	sst s3  }
0xc: {  	[smem:$0x3FB1] =	sst s4  }
0xd: {  	[smem:$0x3FB2] =	sst s5  }
0xe: {  	[smem:$0x3FB3] =	sst s6  }
0xf: {  	[smem:$0x3FB4] =	sst s7  }
0x10: {  	[smem:$0x3FB5] =	sst s8  }
0x11: {  	[smem:$0x3FB6] =	sst s9;
	s0 =	simm.s32 @!p0 $0x0  }
0x12: {  	s1 =	sld [smem:$0x3F9C];
	s0 =	simm.s32 @p0 $0x1  }
0x13: {  	[smem:$0x3FB7] =	sst s0;
	s0 =	simm.s32 @!p1 $0x0  }
0x14: {  	s2 =	sld [smem:$0x3F9B];
	s0 =	simm.s32 @p1 $0x1  }
0x15: {  	[smem:$0x3FB8] =	sst s0;
	s0 =	simm.s32 @!p2 $0x0  }
0x16: {  	s3 =	sld [smem:$0x3FDB];
	s0 =	simm.s32 @p2 $0x1  }
0x17: {  	s4 =	simm.s32 $0x1BF5;
	[smem:$0x3FBA] =	sst s0  }
0x18: {  	s0 =	sld [smem:$0x3F9D];
	_ =	swait.ge [sflag:s4], $0x0  }
0x19: {  	s7 =	sld [smem:$0x3F9E]  }
0x1a: {  	s8 =	sadd.s32 $0xFFFFE003, lr  }
0x1b: {  	s9 =	sadd.s32 $0xFFFFFEF7, lr;
	s5 =	simm.s32 $0xFFFFFFFF;
	p2 =	slt.u32 s8, $0xFFFFF086  }
0x1c: {  	p1 =	slt.u32 s9, $0xF7A;
	s5 =	simm.s32 @!p2 $0x0  }
0x1d: {  	s5 =	simm.s32 @p1 $0x1;
	p0 =	seq.s32 s7, s2  }
0x1e: {  	s7 =	smul.u32 @!p0 $0xF7A, s2;
	p2 =	seq.s32 @!p0 s5, $0x0  }
0x1f: {  	s9 =	smul.u32 $0xF7A, s1;
	s8 =	simm.s32 @!p0 $0x1BF5;
	p2 =	por !p2, p0  }
0x20: {  	[sflag:s8] =	ssyncset.s32 @!p0 $0xFFFFF086;
	s6 =	sadd.s32 @!p0 s3, s7;
	s7 =	simm.s32 @!p0 $0x108  }
0x21: {  	s3 =	sadd.s32 s3, s9;
	s6 =	sadd.s32 @!p0 $0x88, s6;
	s7 =	simm.s32 @p2 $0x1082  }
0x22: {  	[simem:s7], [sflag:s8] =	dma.local @!p0 [hbm:s6], $0xF7A  }
0x23: {  	s9 =	sor.u32 $0xD0000000, s2;
	s6 =	simm.s32 $0x108;
	_ =	swait.ge @!p0 [sflag:s8], $0x0  }
0x24: {  	s3 =	sadd.s32 $0x88, s3;
	s6 =	simm.s32 @!p1 $0x1082;
	[sflag:s4] =	ssyncset.s32 $0xFFFFF086  }
0x25: {  	[simem:s6], [sflag:s4] =	dma.local [hbm:s3], $0xF7A  }
0x26: {  	[smem:$0x3F9E] =	sst s1;
	(tag) =	ssettag s2;
	_ =	strace s9  }
0x27: {  	s1 =	sld [smem:$0x3FAE]  }
0x28: {  	s2 =	sld [smem:$0x3FAF]  }
0x29: {  	s4 =	sld [smem:$0x3FB1]  }
0x2a: {  	p0 =	seq.s32 s5, $0x0;
	s5 =	sld [smem:$0x3FB2]  }
0x2b: {  	s6 =	sld [smem:$0x3FB3]  }
0x2c: {  	s7 =	sld [smem:$0x3FB4]  }
0x2d: {  	s3 =	simm.s32 $0x108;
	s8 =	sld [smem:$0x3FB5]  }
0x2e: {  	s3 =	simm.s32 @!p0 $0x1082;
	s9 =	sld [smem:$0x3FB6]  }
0x2f: {  	lr =	sadd.s32 s0, s3;
	s0 =	sld [smem:$0x3FAD]  }
0x30: {  	s3 =	sld [smem:$0x3FB0]  }
0x31: {  	[smem:$0x3FB9] =	sst s10  }
0x32: {  	s10 =	sld [smem:$0x3FB7];
	_ =	sdelay $0x3  }
0x33: {  	p0 =	seq.s32 s10, $0x1;
	s10 =	sld [smem:$0x3FB9];
	_ =	sdelay $0x3  }
0x34: {  	[smem:$0x3FB9] =	sst s10  }
0x35: {  	s10 =	sld [smem:$0x3FB8];
	_ =	sdelay $0x3  }
0x36: {  	p1 =	seq.s32 s10, $0x1;
	s10 =	sld [smem:$0x3FB9];
	_ =	sdelay $0x3  }
0x37: {  	[smem:$0x3FB9] =	sst s10  }
0x38: {  	s10 =	sld [smem:$0x3FBA]  }
0x39: {  	_ = 	snop;
	(pc) =	sbr.ind lr, $3  }
0x3a: {  	_ = 	snop  }
0x3b: {  	_ = 	snop  }
0x3c: {  	p2 =	seq.s32 s10, $0x1;
	s10 =	sld [smem:$0x3FB9]  }
0x3d: {  	_ =	shalt  }
0x3e: {  	_ =	shalt  }
0x3f: {  	_ =	shalt  }
0x40: {  	_ =	shalt  }
0x41: {  	_ =	shalt  }
0x42: {  	_ =	shalt  }
0x43: {  	_ =	shalt  }
0x44: {  	_ =	shalt  }
0x45: {  	_ =	shalt  }
0x46: {  	_ =	shalt  }
0x47: {  	_ =	shalt  }
0x48: {  	_ =	shalt  }
0x49: {  	_ =	shalt  }
0x4a: {  	_ =	shalt  }
0x4b: {  	_ =	shalt  }
0x4c: {  	_ =	shalt  }
0x4d: {  	_ =	shalt  }
0x4e: {  	_ =	shalt  }
0x4f: {  	_ =	shalt  }
0x50: {  	_ =	shalt  }
0x51: {  	_ =	shalt  }
0x52: {  	_ =	shalt  }
0x53: {  	_ =	shalt  }
0x54: {  	_ =	shalt  }
0x55: {  	_ =	shalt  }
0x56: {  	_ =	shalt  }
0x57: {  	_ =	shalt  }
0x58: {  	_ =	shalt  }
0x59: {  	_ =	shalt  }
0x5a: {  	_ =	shalt  }
0x5b: {  	_ =	shalt  }
0x5c: {  	_ =	shalt  }
0x5d: {  	_ =	shalt  }
0x5e: {  	_ =	shalt  }
0x5f: {  	_ =	shalt  }
0x60: {  	_ =	shalt  }
0x61: {  	_ =	shalt  }
0x62: {  	_ =	shalt  }
0x63: {  	_ =	shalt  }
0x64: {  	_ =	shalt  }
0x65: {  	_ =	shalt  }
0x66: {  	_ =	shalt  }
0x67: {  	_ =	shalt  }
0x68: {  	_ =	shalt  }
0x69: {  	_ =	shalt  }
0x6a: {  	_ =	shalt  }
0x6b: {  	_ =	shalt  }
0x6c: {  	_ =	shalt  }
0x6d: {  	_ =	shalt  }
0x6e: {  	_ =	shalt  }
0x6f: {  	_ =	shalt  }
0x70: {  	_ =	shalt  }
0x71: {  	_ =	shalt  }
0x72: {  	_ =	shalt  }
0x73: {  	_ =	shalt  }
0x74: {  	_ =	shalt  }
0x75: {  	_ =	shalt  }
0x76: {  	_ =	shalt  }
0x77: {  	_ =	shalt  }
0x78: {  	_ =	shalt  }
0x79: {  	_ =	shalt  }
0x7a: {  	_ =	shalt  }
0x7b: {  	_ =	shalt  }
0x7c: {  	_ =	shalt  }
0x7d: {  	_ =	shalt  }
0x7e: {  	_ =	shalt  }
0x7f: {  	_ =	shalt  }
0x80: {  	_ =	shalt  }
0x81: {  	_ =	shalt  }
0x82: {  	_ =	shalt  }
0x83: {  	_ =	shalt  }
0x84: {  	_ =	shalt  }
0x85: {  	_ =	shalt  }
0x86: {  	_ =	shalt  }
0x87: {  	_ =	shalt  }
.Lfunc_end0:
.L_simem_size_0:
called_computation_lowered:
.L_overlay_start_0:
0x88: {  	s2 =	sld [smem:$0x3FD9]  }
0x89: {  	s3 =	sld [smem:$0x3FFE];
	_ =	sdelay $0x1  }
0x8a: {  	s1 =	srdreg.scid  }
0x8b: {  	s0 =	sand.u32 $0x1, s1  }
0x8c: {  	s18 =	sshll.u32 s0, $0xA;
	s2 =	sadd.s32 s3, s2  }
0x8d: {  	s2 =	sadd.s32 s2, s18  }
0x8e: {  	[smem:$0x3FC5] =	sst s2  }
0x8f: {  	_ = 	snop  }
0x90: {  	s2 =	sld [smem:$0x3FC9]  }
0x91: {  	s19 =	sld [smem:$0x3FC8]  }
0x92: {  	s4 =	sld [smem:$0x3FC7]  }
0x93: {  	s5 =	sld [smem:$0x3FD0];
	(tm) =	ssettm $0x1  }
0x94: {  	s6 =	sld [smem:$0x3FFB];
	_ =	sdelay $0x3  }
0x95: {  	_ =	strace s6  }
0x96: {  	s6 =	sld [smem:$0x3FFC];
	_ =	sdelay $0x3  }
0x97: {  	_ =	strace s6  }
0x98: {  	s6 =	sld [smem:$0x3FFD];
	_ =	sdelay $0x3  }
0x99: {  	_ =	strace s6  }
0x9a: {  	_ =	strace $0x8FFFFFFF  }
0x9b: {  	s20 =	sld [smem:$0x3FDB];
	_ =	sdelay $0x1  }
0x9c: {  	s7 =	simm.s32 $_scs_section_size  }
0x9d: {  	s8 =	simm.s32 $_size__tile_overlayer_lowered;
	s9 =	simm.s32 $_tile_overlayer_lowered  }
0x9e: {  	s23 =	simm.s32 $0x1BFF;
	s22 =	sshll.u32 s9, $0x1;
	s6 =	sadd.s32 s7, s20  }
0x9f: {  	s10 =	simm.s32 $0x0;
	s21 =	sshll.u32 s8, $0x1;
	s8 =	sadd.s32 s22, s6  }
0xa0: {  	[timem:s10], [sflag:s23] =	dma.local [hbm:s8], s21  }
0xa1: {  	_ =	swait.ge [sflag:s23], s21  }
0xa2: {  	s7 =	ssub.s32 $0x0, s21;
	[sflag:s23] =	ssyncset.done $0x0  }
0xa3: {  	[sflag:s23] =	ssyncadd.s32 s7;
	_ =	sdelay $0x1  }
0xa4: {  	s24 =	simm.s32 $0x1B8B  }
0xa5: {  	_ =	swait.ge [sflag:s24], $0x1  }
0xa6: {  	[sflag:s24] =	ssyncset.done $0x0  }
0xa7: {  	s25 =	simm.s32 $0x1B8E;
	[sflag:s24] =	ssyncadd.s32 $0xFFFFFFFF  }
0xa8: {  	s26 =	simm.s32 $execute0_lowered;
	[smem:$0x3FD2] =	sst s25  }
0xa9: {  	s7 =	sshll.u32 s26, $0x1;
	_ =	strace $0x80000046;
	[dreg:$0x1] =	wrdreg $0xFFFFFFFF  }
0xaa: {  	s28 =	simm.s32 $_size_execute0_lowered;
	s6 =	sadd.s32 s6, s7;
	[dreg:$0x0] =	wrdreg $0x0  }
0xab: {  	s7 =	sshll.u32 s28, $0x1;
	[dreg:$0x2] =	wrdreg s6  }
0xac: {  	[dreg:$0x3] =	wrdreg s7  }
0xad: {  	[dreg:$0x4] =	wrdreg $0xC0  }
0xae: {  	_ =	task [dreg:s10], $0x5FFFF  }
0xaf: {  	[dreg:$0x1] =	wrdreg $0xFFFFFFFF  }
0xb0: {  	[dreg:$0x0] =	wrdreg $0x60  }
0xb1: {  	[dreg:$0x2] =	wrdreg s2  }
0xb2: {  	[dreg:$0x3] =	wrdreg s4  }
0xb3: {  	[dreg:$0x4] =	wrdreg s19  }
0xb4: {  	[dreg:$0x5] =	wrdreg s5  }
0xb5: {  	[dreg:$0x6] =	wrdreg $0x9  }
0xb6: {  	_ =	task.clear_ibuf [dreg:s10], $0x7FFFF;
	_ =	strace $0x90000046  }
0xb7: {  	s29 =	simm.s32 $0x9;
	_ =	strace $0x80000048  }
0xb8: {  	_ =	swait.ge [sflag:s29], $0x1  }
0xb9: {  	[sflag:s29] =	ssyncadd.s32 $0xFFFFFFFF  }
0xba: {  	_ =	strace $0x90000048  }
0xbb: {  	_ =	sfence  }
0xbc: {  	s30 =	sld [smem:$0x0];
	_ =	sdelay $0x2  }
0xbd: {  	s31 =	sshll.u32 s1, $0xD;
	s1 =	sshrl.u32 s1, $0x2  }
0xbe: {  	s3 =	sand.u32 $0x4000, s31;
	s1 =	sadd.s32 s1, s30  }
0xbf: {  	s0 =	sor.u32 s3, s0;
	s1 =	sshll.u32 s1, $0x11  }
0xc0: {  	s0 =	sor.u32 s1, s0  }
0xc1: {  	s0 =	sadd.s32 $0x8F2B, s0  }
0xc2: {  	[sflag:s0] =	ssyncadd.remote.s32 $0x1  }
0xc3: {  	_ =	sfence.sel $0xFFFF  }
0xc4: {  	[dreg:$0x0] =	wrdreg $0xFFFFFFFF;
	(pc) =	sbr.abs _section_cstart, $3  }
0xc5: {  	[dreg:$0x1] =	wrdreg $0xFFFFFFFF  }
0xc6: {  	_ =	task.clear_ibuf [dreg:s10], $0x2FFFF;
	_ =	strace $0x9FFFFFFF  }
0xc7: {  	(tm) =	ssettm $0x7FFFFFFF  }
tec
execute0_lowered:
.L_overlay_start_1:
0x0: {  	(tag) =	ssettag $0x1  }
0x1: {  	s0 =	rddreg [dreg:$0x0]  }
0x2: {  	s31 =	rddreg [dreg:$0x1]  }
0x3: {  	s1 =	srdreg.scid;
	s3 =	rddreg [dreg:$0x2]  }
0x4: {  	s2 =	stileid.u32;
	s6 =	rddreg [dreg:$0x3];
	s5 =	simm.s32 $0x0  }
0x5: {  	s20 =	simm.s32 $0x1;
	s18 =	simm.s32 $0x3;
	s28 =	simm.s32 $0x4  }
0x6: {  	s29 =	simm.s32 $0x6;
	s1 =	sand.u32 $0x1, s1;
	s2 =	sshll.u32 s2, $0x8  }
0x7: {  	[smem:$0x7FF] =	sst s5;
	s12 =	sadd.s32 $0x100, s3;
	s13 =	sadd.s32 $0x200, s3  }
0x8: {  	s14 =	sadd.s32 $0x300, s3;
	s26 =	sadd.s32 $0x80000, s6;
	s16 =	sadd.s32 $0x100000, s6  }
0x9: {  	s4 =	sshll.u32 s1, $0x7;
	s1 =	ssub.s32 $0x2, s1;
	_ =	strace $0x80000047  }
0xa: {  	[dreg:$0xb] =	wrdreg s26;
	s7 =	sor.u32 s4, s2;
	s21 =	sshrl.u32 s1, $0x1  }
0xb: {  	s2 =	sshrl.u32 s7, $0x1;
	[dreg:$0x5] =	wrdreg s7;
	s30 =	sor.u32 $0x20, s7  }
0xc: {  	s24 =	sshll.u32 s7, $0x7;
	s2 =	sadd.s32 s0, s2;
	[dreg:$0xc] =	wrdreg s30  }
0xd: {  	s22 =	ssub.s32 s1, s21;
	s1 =	sadd.s32 s31, s24;
	[dreg:$0x6] =	wrdreg s2  }
0xe: {  	s17 =	sadd.s32 $0x180000, s6;
	s0 =	smax.u32 s22, $0x1;
	[dreg:$0xa] =	wrdreg s1  }
0xf: {  	s26 =	simm.s32 $0x5;
	s23 =	sadd.s32 $0x10, s2;
	[dreg:$0xd] =	wrdreg s0  }
0x10: {  	v2 =	vlaneseq.u32;
	s7 =	simm.s32 $0x8200;
	s25 =	sadd.s32 $0x20, s2;
	[dreg:$0x7] =	wrdreg s23  }
0x11: {  	vm0 =	vmmov $0xffff;
	v1 =	vshrl.u32 v2, $0x3;
	s22 =	simm.s32 $0x2;
	s2 =	sadd.s32 $0x30, s2;
	[dreg:$0x8] =	wrdreg s25  }
0x12: {  	v0 =	vand.u32 $0x7, v2;
	v2 =	vor.u32 $0x8, v2;
	v1 =	vmul.u32 $0x8, v1;
	[dreg:$0x9] =	wrdreg s2;
	s23 =	simm.s32 $0xC200;
	s2 =	simm.s32 $0x0  }
.LBB2_1:
0x13: {  	[dreg:$0xe] =	wrdreg s2  }
0x14: {  	s0 =	rddreg [dreg:$0x6];
	s1 =	simm.s32 $0xB  }
0x15: {  	[tilespmem:s5], [sflag:$0xB] =	stream.linear.gather [hbm4b:s0+s5], $0x80, $0x38;
	[tilespmem:$0x18200] =	vst v63  }
0x16: {  	_ =	swait.ge [sflag:s1], $0x80  }
0x17: {  	[sflag:s1] =	ssyncset.done $0x0  }
0x18: {  	s9 =	simm.s32 $0x80;
	s8 =	rddreg [dreg:$0x7];
	[sflag:s1] =	ssyncadd.s32 $0xFFFFFF80  }
0x19: {  	[tilespmem:s9], [sflag:$0xB] =	stream.linear.gather [hbm4b:s8+s5], $0x80, $0x38;
	[tilespmem:$0x18200] =	vst v63  }
0x1a: {  	_ =	swait.ge [sflag:s1], $0x80  }
0x1b: {  	[sflag:s1] =	ssyncset.done $0x0  }
0x1c: {  	s11 =	simm.s32 $0x100;
	s10 =	rddreg [dreg:$0x8];
	[sflag:s1] =	ssyncadd.s32 $0xFFFFFF80  }
0x1d: {  	[tilespmem:s11], [sflag:$0xB] =	stream.linear.gather [hbm4b:s10+s5], $0x80, $0x38;
	[tilespmem:$0x18200] =	vst v63  }
0x1e: {  	_ =	swait.ge [sflag:s1], $0x80  }
0x1f: {  	[sflag:s1] =	ssyncset.done $0x0  }
0x20: {  	s19 =	simm.s32 $0x180;
	s15 =	rddreg [dreg:$0x9];
	[sflag:s1] =	ssyncadd.s32 $0xFFFFFF80  }
0x21: {  	[tilespmem:s19], [sflag:$0xB] =	stream.linear.gather [hbm4b:s15+s5], $0x80, $0x38;
	[tilespmem:$0x18200] =	vst v63  }
0x22: {  	_ =	swait.ge [sflag:s1], $0x80  }
0x23: {  	[sflag:s1] =	ssyncset.done $0x0  }
0x24: {  	s24 =	simm.s32 $0x10200;
	s21 =	rddreg [dreg:$0xa];
	[sflag:s1] =	ssyncadd.s32 $0xFFFFFF80  }
0x25: {  	[tilespmem:s24], [sflag:$0x9] =	stream.linear.gather [hbm4b:s21+s5], $0x4000, $0x38;
	[tilespmem:$0x18200] =	vst v63  }
0x26: {  	v3 =	vld [tilespmem:$0x0];
	_ =	sdelay $0x4  }
0x27: {  	v4 =	vshll.u32 v3, $0x3  }
0x28: {  	v3 =	vand.u32 $0x7, v3;
	v4 =	vand.u32 $0xFFFFFFC0, v4  }
0x29: {  	v3 =	vor.u32 v3, v4  }
0x2a: {  	v4 =	vperm.xlane v3, v0;
	_ =	sdelay $0x1  }
0x2b: {  	v4 =	vadd.s32 v1, v4;
	_ =	sdelay $0x3  }
0x2c: {  	s25 =	simm.s32 $0x200  }
0x2d: {  	[tilespmem:s25], [sflag:$0x1] =	stream.indirect_vreg.gather [hbm4b:s3+s5], $0x80, v4, vm0, $0xb8;
	[tilespmem:$0x18200] =	vst v63  }
0x2e: {  	s30 =	simm.s32 $0xA00;
	v3 =	vperm.xlane v3, v2  }
0x2f: {  	[tilespmem:s30], [sflag:$0x1] =	stream.indirect_vreg.gather [hbm4b:s12+s5], $0x80, v4, vm0, $0xb8;
	[tilespmem:$0x18200] =	vst v63  }
0x30: {  	s1 =	simm.s32 $0x1200;
	v3 =	vadd.s32 v1, v3  }
0x31: {  	[tilespmem:s1], [sflag:$0x1] =	stream.indirect_vreg.gather [hbm4b:s13+s5], $0x80, v4, vm0, $0xb8;
	[tilespmem:$0x18200] =	vst v63  }
0x32: {  	s2 =	simm.s32 $0x1A00  }
0x33: {  	[tilespmem:s2], [sflag:$0x1] =	stream.indirect_vreg.gather [hbm4b:s14+s5], $0x80, v4, vm0, $0xb8;
	[tilespmem:$0x18200] =	vst v63  }
0x34: {  	s4 =	simm.s32 $0x2200  }
0x35: {  	[tilespmem:s4], [sflag:$0x1] =	stream.indirect_vreg.gather [hbm4b:s3+s5], $0x80, v3, vm0, $0xb8;
	[tilespmem:$0x18200] =	vst v63  }
0x36: {  	s6 =	simm.s32 $0x2A00  }
0x37: {  	[tilespmem:s6], [sflag:$0x1] =	stream.indirect_vreg.gather [hbm4b:s12+s5], $0x80, v3, vm0, $0xb8;
	[tilespmem:$0x18200] =	vst v63  }
0x38: {  	s8 =	simm.s32 $0x3200  }
0x39: {  	[tilespmem:s8], [sflag:$0x1] =	stream.indirect_vreg.gather [hbm4b:s13+s5], $0x80, v3, vm0, $0xb8;
	[tilespmem:$0x18200] =	vst v63  }
0x3a: {  	s9 =	simm.s32 $0x3A00  }
0x3b: {  	[tilespmem:s9], [sflag:$0x1] =	stream.indirect_vreg.gather [hbm4b:s14+s5], $0x80, v3, vm0, $0xb8;
	[tilespmem:$0x18200] =	vst v63  }
0x3c: {  	v3 =	vld [tilespmem:$0x80];
	_ =	sdelay $0x4  }
0x3d: {  	v63 =	vshll.u32 v3, $0x3  }
0x3e: {  	v3 =	vand.u32 $0x7, v3;
	v4 =	vand.u32 $0xFFFFFFC0, v63  }
0x3f: {  	v3 =	vor.u32 v3, v4  }
0x40: {  	v4 =	vperm.xlane v3, v0;
	_ =	sdelay $0x1  }
0x41: {  	v4 =	vadd.s32 v1, v4;
	_ =	sdelay $0x3  }
0x42: {  	s10 =	simm.s32 $0x4200  }
0x43: {  	[tilespmem:s10], [sflag:$0x2] =	stream.indirect_vreg.gather [hbm4b:s3+s5], $0x80, v4, vm0, $0xb8;
	[tilespmem:$0x18200] =	vst v63  }
0x44: {  	s11 =	simm.s32 $0x4A00;
	v3 =	vperm.xlane v3, v2  }
0x45: {  	[tilespmem:s11], [sflag:$0x2] =	stream.indirect_vreg.gather [hbm4b:s12+s5], $0x80, v4, vm0, $0xb8;
	[tilespmem:$0x18200] =	vst v63  }
0x46: {  	s15 =	simm.s32 $0x5200;
	v3 =	vadd.s32 v1, v3  }
0x47: {  	[tilespmem:s15], [sflag:$0x2] =	stream.indirect_vreg.gather [hbm4b:s13+s5], $0x80, v4, vm0, $0xb8;
	[tilespmem:$0x18200] =	vst v63  }
0x48: {  	s19 =	simm.s32 $0x5A00  }
0x49: {  	[tilespmem:s19], [sflag:$0x2] =	stream.indirect_vreg.gather [hbm4b:s14+s5], $0x80, v4, vm0, $0xb8;
	[tilespmem:$0x18200] =	vst v63  }
0x4a: {  	s21 =	simm.s32 $0x6200  }
0x4b: {  	[tilespmem:s21], [sflag:$0x2] =	stream.indirect_vreg.gather [hbm4b:s3+s5], $0x80, v3, vm0, $0xb8;
	[tilespmem:$0x18200] =	vst v63  }
0x4c: {  	s24 =	simm.s32 $0x6A00  }
0x4d: {  	[tilespmem:s24], [sflag:$0x2] =	stream.indirect_vreg.gather [hbm4b:s12+s5], $0x80, v3, vm0, $0xb8;
	[tilespmem:$0x18200] =	vst v63  }
0x4e: {  	s25 =	simm.s32 $0x7200  }
0x4f: {  	[tilespmem:s25], [sflag:$0x2] =	stream.indirect_vreg.gather [hbm4b:s13+s5], $0x80, v3, vm0, $0xb8;
	[tilespmem:$0x18200] =	vst v63  }
0x50: {  	s0 =	simm.s32 $0x0;
	s30 =	simm.s32 $0x7A00  }
0x51: {  	[tilespmem:s30], [sflag:$0x2] =	stream.indirect_vreg.gather [hbm4b:s14+s5], $0x80, v3, vm0, $0xb8;
	[tilespmem:$0x18200] =	vst v63  }
.LBB2_2:
0x52: {  	s4 =	simm.s32 $0x9  }
0x53: {  	s8 =	sshll.u32 s0, $0x5;
	_ =	swait.ge [sflag:s4], $0x4000  }
0x54: {  	s9 =	sor.u32 $0x10, s8;
	s2 =	rddreg [dreg:$0x5]  }
0x55: {  	s1 =	sor.u32 s2, s9  }
0x56: {  	s15 =	smov.u32 s31;
	[sflag:s4] =	ssyncset.done $0x0;
	s24 =	sshll.u32 s1, $0x7  }
0x57: {  	[sflag:s4] =	ssyncadd.s32 $0xFFFFC000;
	s1 =	sadd.s32 s31, s24;
	s31 =	simm.s32 $0x14200  }
0x58: {  	[tilespmem:s31], [sflag:$0xA] =	stream.linear.gather [hbm4b:s1+s5], $0x4000, $0x38;
	[tilespmem:$0x18200] =	vst v63  }
0x59: {  	_ =	swait.ge [sflag:s20], $0x4000  }
0x5a: {  	p0 =	seq.s32 s0, $0x0;
	[sflag:s20] =	ssyncset.done $0x0  }
0x5b: {  	s1 =	simm.s32 @!p0 $0x7;
	[sflag:s20] =	ssyncadd.s32 $0xFFFFC000  }
0x5c: {  	_ =	swait.ge @!p0 [sflag:s1], $0x4000  }
0x5d: {  	[sflag:s1] =	ssyncset.done @!p0 $0x0  }
0x5e: {  	[sflag:s1] =	ssyncadd.s32 @!p0 $0xFFFFC000  }
0x5f: {  	v3 =	vld [tilespmem:s8+$0x100];
	_ =	sdelay $0x4  }
0x60: {  	v4 =	vshll.u32 v3, $0x3  }
0x61: {  	v3 =	vand.u32 $0x7, v3;
	v4 =	vand.u32 $0xFFFFFFC0, v4  }
0x62: {  	v3 =	vor.u32 v3, v4  }
0x63: {  	v4 =	vperm.xlane v3, v0;
	_ =	sdelay $0x1  }
0x64: {  	v4 =	vadd.s32 v1, v4;
	_ =	sdelay $0x3  }
0x65: {  	s10 =	simm.s32 $0x0  }
0x66: {  	[tilespmem:s7], [sflag:$0x3] =	stream.indirect_vreg.gather [hbm4b:s3+s10], $0x80, v4, vm0, $0xb8;
	[tilespmem:$0x18200] =	vst v63  }
0x67: {  	s6 =	simm.s32 $0x8A00;
	v3 =	vperm.xlane v3, v2  }
0x68: {  	[tilespmem:s6], [sflag:$0x3] =	stream.indirect_vreg.gather [hbm4b:s12+s10], $0x80, v4, vm0, $0xb8;
	[tilespmem:$0x18200] =	vst v63  }
0x69: {  	s11 =	simm.s32 $0x9200;
	v3 =	vadd.s32 v1, v3  }
0x6a: {  	[tilespmem:s11], [sflag:$0x3] =	stream.indirect_vreg.gather [hbm4b:s13+s10], $0x80, v4, vm0, $0xb8;
	[tilespmem:$0x18200] =	vst v63  }
0x6b: {  	s19 =	simm.s32 $0x9A00  }
0x6c: {  	[tilespmem:s19], [sflag:$0x3] =	stream.indirect_vreg.gather [hbm4b:s14+s10], $0x80, v4, vm0, $0xb8;
	[tilespmem:$0x18200] =	vst v63  }
0x6d: {  	s21 =	simm.s32 $0xA200  }
0x6e: {  	[tilespmem:s21], [sflag:$0x3] =	stream.indirect_vreg.gather [hbm4b:s3+s10], $0x80, v3, vm0, $0xb8;
	[tilespmem:$0x18200] =	vst v63  }
0x6f: {  	s25 =	simm.s32 $0xAA00  }
0x70: {  	[tilespmem:s25], [sflag:$0x3] =	stream.indirect_vreg.gather [hbm4b:s12+s10], $0x80, v3, vm0, $0xb8;
	[tilespmem:$0x18200] =	vst v63  }
0x71: {  	s30 =	simm.s32 $0xB200  }
0x72: {  	[tilespmem:s30], [sflag:$0x3] =	stream.indirect_vreg.gather [hbm4b:s13+s10], $0x80, v3, vm0, $0xb8;
	[tilespmem:$0x18200] =	vst v63  }
0x73: {  	s31 =	simm.s32 $0xBA00;
	s1 =	simm.s32 $0x0;
	s11 =	sor.u32 s2, s8  }
0x74: {  	[tilespmem:s31], [sflag:$0x3] =	stream.indirect_vreg.gather [hbm4b:s14+s10], $0x80, v3, vm0, $0xb8;
	[tilespmem:$0x18200] =	vst v63  }
.LBB2_3:
0x75: {  	s4 =	sshll.u32 s1, $0xA;
	s19 =	sshll.u32 s1, $0x7  }
0x76: {  	s4 =	sand.u32 $0x2000, s4;
	s19 =	sand.u32 $0x380, s19  }
0x77: {  	s6 =	sand.u32 $0x40, s10;
	s4 =	sor.u32 s4, s19  }
0x78: {  	s21 =	sand.u32 $0x1C00, s10;
	s19 =	sor.u32 s6, s4  }
0x79: {  	s19 =	sor.u32 s21, s19  }
0x7a: {  	v8 =	vld [tilespmem:s19+$0x10230]  }
0x7b: {  	v10 =	vld [tilespmem:s19+$0x10220]  }
0x7c: {  	v7 =	vld [tilespmem:s19+$0x10200]  }
0x7d: {  	v3 =	vld [tilespmem:s19+$0x10210]  }
0x7e: {  	s25 =	simm.s32 $0x40;
	v5 =	vld [tilespmem:s19+$0x210]  }
0x7f: {  	s25 =	sand.u32 $0x40, s25;
	s21 =	simm.s32 $0x200;
	v9 =	vld [tilespmem:s19+$0x200]  }
0x80: {  	s25 =	sor.u32 s25, s4;
	s30 =	sand.u32 $0x1C00, s21;
	v11 =	vld [tilespmem:s19+$0x230]  }
0x81: {  	v12 =	vld [tilespmem:s19+$0x220];
	s25 =	sor.u32 s30, s25  }
0x82: {  	v6 =	vld [tilespmem:s25+$0x10230]  }
0x83: {  	v4 =	vld [tilespmem:s25+$0x10220];
	v13 =	vadd.f32 v3, v5  }
0x84: {  	v3 =	vld [tilespmem:s25+$0x10200];
	v14 =	vadd.f32 v7, v9  }
0x85: {  	v5 =	vld [tilespmem:s25+$0x10210];
	v9 =	vadd.f32 v8, v11;
	[tilespmem:s19+$0x210] =	vst v13  }
0x86: {  	s31 =	simm.s32 $0x80;
	s30 =	simm.s32 $0x4;
	v8 =	vadd.f32 v10, v12;
	v7 =	vld [tilespmem:s25+$0x210];
	[tilespmem:s19+$0x200] =	vst v14  }
.LBB2_4:
0x87: {  	s2 =	sand.u32 $0x40, s31;
	s30 =	sadd.s32 $0x4, s30;
	v10 =	vld [tilespmem:s25+$0x200];
	s21 =	sadd.s32 $0x200, s21;
	[tilespmem:s19+$0x230] =	vst v9;
	v9 =	vmov v6  }
0x88: {  	s6 =	sand.u32 $0x1C00, s21;
	s2 =	sor.u32 s2, s4;
	p1 =	slt.u32 s30, $0x3C;
	v11 =	vld [tilespmem:s25+$0x230];
	[tilespmem:s19+$0x220] =	vst v8;
	v8 =	vmov v4  }
0x89: {  	s19 =	smov.u32 s25;
	v12 =	vld [tilespmem:s25+$0x220];
	s25 =	sor.u32 s6, s2  }
.Ltmp0:
0x8a: {  	v6 =	vld [tilespmem:s25+$0x10230];
	(pc) =	sbr.rel @p1 .LBB2_4-.Ltmp0, $4  }
0x8b: {  	v4 =	vld [tilespmem:s25+$0x10220];
	v7 =	vadd.f32 v5, v7  }
0x8c: {  	v10 =	vadd.f32 v3, v10;
	v3 =	vld [tilespmem:s25+$0x10200]  }
0x8d: {  	v5 =	vld [tilespmem:s25+$0x10210];
	[tilespmem:s19+$0x210] =	vst v7;
	v9 =	vadd.f32 v9, v11  }
0x8e: {  	s31 =	sadd.s32 $0x40, s31;
	v7 =	vld [tilespmem:s25+$0x210];
	[tilespmem:s19+$0x200] =	vst v10;
	v8 =	vadd.f32 v8, v12  }
0x8f: {  	v10 =	vld [tilespmem:s25+$0x200];
	[tilespmem:s19+$0x230] =	vst v9  }
0x90: {  	v9 =	vld [tilespmem:s25+$0x230];
	[tilespmem:s19+$0x220] =	vst v8  }
0x91: {  	v8 =	vld [tilespmem:s25+$0x220]  }
0x92: {  	s1 =	sadd.s32 $0x1, s1  }
0x93: {  	p1 =	sne.s32 s1, $0x10;
	v5 =	vadd.f32 v5, v7  }
.Ltmp1:
0x94: {  	v3 =	vadd.f32 v3, v10;
	(pc) =	sbr.rel @p1 .LBB2_3-.Ltmp1, $4  }
0x95: {  	[tilespmem:s25+$0x210] =	vst v5;
	v63 =	vadd.f32 v6, v9  }
0x96: {  	[tilespmem:s25+$0x200] =	vst v3;
	v3 =	vadd.f32 v4, v8  }
0x97: {  	[tilespmem:s25+$0x230] =	vst v63  }
0x98: {  	[tilespmem:s25+$0x220] =	vst v3  }
0x99: {  	s10 =	sshll.u32 s11, $0x7;
	s1 =	rddreg [dreg:$0x3]  }
0x9a: {  	s2 =	simm.s32 $0x200;
	s1 =	sadd.s32 s1, s10  }
0x9b: {  	[hbm4b:s1+s5] =	stream.linear.scatter [tilespmem:s2], [sflag:$0x5], $0x4000, $0x38;
	[tilespmem:$0x18200] =	vst v63  }
0x9c: {  	_ =	swait.ge [sflag:s22], $0x4000  }
0x9d: {  	[sflag:s22] =	ssyncset.done $0x0  }
0x9e: {  	s1 =	simm.s32 @!p0 $0x8;
	[sflag:s22] =	ssyncadd.s32 $0xFFFFC000  }
0x9f: {  	_ =	swait.ge @!p0 [sflag:s1], $0x4000  }
0xa0: {  	[sflag:s1] =	ssyncset.done @!p0 $0x0  }
0xa1: {  	[sflag:s1] =	ssyncadd.s32 @!p0 $0xFFFFC000  }
0xa2: {  	v3 =	vld [tilespmem:s8+$0x180];
	_ =	sdelay $0x4  }
0xa3: {  	v4 =	vshll.u32 v3, $0x3  }
0xa4: {  	v3 =	vand.u32 $0x7, v3;
	v4 =	vand.u32 $0xFFFFFFC0, v4  }
0xa5: {  	v3 =	vor.u32 v3, v4  }
0xa6: {  	v4 =	vperm.xlane v3, v0;
	_ =	sdelay $0x1  }
0xa7: {  	v4 =	vadd.s32 v1, v4;
	_ =	sdelay $0x3  }
0xa8: {  	s11 =	simm.s32 $0x0  }
0xa9: {  	[tilespmem:s23], [sflag:$0x4] =	stream.indirect_vreg.gather [hbm4b:s3+s11], $0x80, v4, vm0, $0xb8;
	[tilespmem:$0x18200] =	vst v63  }
0xaa: {  	s4 =	simm.s32 $0xCA00;
	v3 =	vperm.xlane v3, v2  }
0xab: {  	[tilespmem:s4], [sflag:$0x4] =	stream.indirect_vreg.gather [hbm4b:s12+s11], $0x80, v4, vm0, $0xb8;
	[tilespmem:$0x18200] =	vst v63  }
0xac: {  	s6 =	simm.s32 $0xD200;
	v3 =	vadd.s32 v1, v3  }
0xad: {  	[tilespmem:s6], [sflag:$0x4] =	stream.indirect_vreg.gather [hbm4b:s13+s11], $0x80, v4, vm0, $0xb8;
	[tilespmem:$0x18200] =	vst v63  }
0xae: {  	s19 =	simm.s32 $0xDA00  }
0xaf: {  	[tilespmem:s19], [sflag:$0x4] =	stream.indirect_vreg.gather [hbm4b:s14+s11], $0x80, v4, vm0, $0xb8;
	[tilespmem:$0x18200] =	vst v63  }
0xb0: {  	s21 =	simm.s32 $0xE200  }
0xb1: {  	[tilespmem:s21], [sflag:$0x4] =	stream.indirect_vreg.gather [hbm4b:s3+s11], $0x80, v3, vm0, $0xb8;
	[tilespmem:$0x18200] =	vst v63  }
0xb2: {  	s25 =	simm.s32 $0xEA00  }
0xb3: {  	[tilespmem:s25], [sflag:$0x4] =	stream.indirect_vreg.gather [hbm4b:s12+s11], $0x80, v3, vm0, $0xb8;
	[tilespmem:$0x18200] =	vst v63  }
0xb4: {  	s30 =	simm.s32 $0xF200  }
0xb5: {  	[tilespmem:s30], [sflag:$0x4] =	stream.indirect_vreg.gather [hbm4b:s13+s11], $0x80, v3, vm0, $0xb8;
	[tilespmem:$0x18200] =	vst v63  }
0xb6: {  	s31 =	simm.s32 $0xFA00;
	s1 =	simm.s32 $0x0  }
0xb7: {  	[tilespmem:s31], [sflag:$0x4] =	stream.indirect_vreg.gather [hbm4b:s14+s11], $0x80, v3, vm0, $0xb8;
	[tilespmem:$0x18200] =	vst v63  }
.LBB2_7:
0xb8: {  	s2 =	sshll.u32 s1, $0xA;
	s4 =	sshll.u32 s1, $0x7  }
0xb9: {  	s2 =	sand.u32 $0x2000, s2;
	s4 =	sand.u32 $0x380, s4  }
0xba: {  	s19 =	sand.u32 $0x40, s11;
	s4 =	sor.u32 s2, s4  }
0xbb: {  	s6 =	sand.u32 $0x1C00, s11;
	s2 =	sor.u32 s19, s4  }
0xbc: {  	s19 =	sor.u32 s6, s2  }
0xbd: {  	v8 =	vld [tilespmem:s19+$0x10230]  }
0xbe: {  	v10 =	vld [tilespmem:s19+$0x10220]  }
0xbf: {  	v7 =	vld [tilespmem:s19+$0x10200]  }
0xc0: {  	v3 =	vld [tilespmem:s19+$0x10210]  }
0xc1: {  	s21 =	simm.s32 $0x40;
	v5 =	vld [tilespmem:s19+$0x4210]  }
0xc2: {  	s2 =	sand.u32 $0x40, s21;
	s21 =	simm.s32 $0x200;
	v9 =	vld [tilespmem:s19+$0x4200]  }
0xc3: {  	s25 =	sand.u32 $0x1C00, s21;
	s2 =	sor.u32 s2, s4;
	v11 =	vld [tilespmem:s19+$0x4230]  }
0xc4: {  	v12 =	vld [tilespmem:s19+$0x4220];
	s25 =	sor.u32 s25, s2  }
0xc5: {  	v6 =	vld [tilespmem:s25+$0x10230]  }
0xc6: {  	v4 =	vld [tilespmem:s25+$0x10220];
	v13 =	vadd.f32 v3, v5  }
0xc7: {  	v3 =	vld [tilespmem:s25+$0x10200];
	v14 =	vadd.f32 v7, v9  }
0xc8: {  	v5 =	vld [tilespmem:s25+$0x10210];
	v9 =	vadd.f32 v8, v11;
	[tilespmem:s19+$0x4210] =	vst v13  }
0xc9: {  	s30 =	simm.s32 $0x4;
	s31 =	simm.s32 $0x80;
	v8 =	vadd.f32 v10, v12;
	v7 =	vld [tilespmem:s25+$0x4210];
	[tilespmem:s19+$0x4200] =	vst v14  }
.LBB2_8:
0xca: {  	s2 =	sand.u32 $0x40, s31;
	s30 =	sadd.s32 $0x4, s30;
	v10 =	vld [tilespmem:s25+$0x4200];
	s21 =	sadd.s32 $0x200, s21;
	[tilespmem:s19+$0x4230] =	vst v9;
	v9 =	vmov v6  }
0xcb: {  	s6 =	sand.u32 $0x1C00, s21;
	s2 =	sor.u32 s2, s4;
	p0 =	slt.u32 s30, $0x3C;
	v11 =	vld [tilespmem:s25+$0x4230];
	[tilespmem:s19+$0x4220] =	vst v8;
	v8 =	vmov v4  }
0xcc: {  	s19 =	smov.u32 s25;
	v12 =	vld [tilespmem:s25+$0x4220];
	s25 =	sor.u32 s6, s2  }
.Ltmp2:
0xcd: {  	v6 =	vld [tilespmem:s25+$0x10230];
	(pc) =	sbr.rel @p0 .LBB2_8-.Ltmp2, $4  }
0xce: {  	v4 =	vld [tilespmem:s25+$0x10220];
	v7 =	vadd.f32 v5, v7  }
0xcf: {  	v10 =	vadd.f32 v3, v10;
	v3 =	vld [tilespmem:s25+$0x10200]  }
0xd0: {  	v5 =	vld [tilespmem:s25+$0x10210];
	[tilespmem:s19+$0x4210] =	vst v7;
	v9 =	vadd.f32 v9, v11  }
0xd1: {  	s31 =	sadd.s32 $0x40, s31;
	v7 =	vld [tilespmem:s25+$0x4210];
	[tilespmem:s19+$0x4200] =	vst v10;
	v8 =	vadd.f32 v8, v12  }
0xd2: {  	v10 =	vld [tilespmem:s25+$0x4200];
	[tilespmem:s19+$0x4230] =	vst v9  }
0xd3: {  	v9 =	vld [tilespmem:s25+$0x4230];
	[tilespmem:s19+$0x4220] =	vst v8  }
0xd4: {  	v8 =	vld [tilespmem:s25+$0x4220]  }
0xd5: {  	s1 =	sadd.s32 $0x1, s1  }
0xd6: {  	p0 =	sne.s32 s1, $0x10;
	v5 =	vadd.f32 v5, v7  }
.Ltmp3:
0xd7: {  	v3 =	vadd.f32 v3, v10;
	(pc) =	sbr.rel @p0 .LBB2_7-.Ltmp3, $4  }
0xd8: {  	[tilespmem:s25+$0x4210] =	vst v5;
	v63 =	vadd.f32 v6, v9  }
0xd9: {  	[tilespmem:s25+$0x4200] =	vst v3;
	v3 =	vadd.f32 v4, v8  }
0xda: {  	[tilespmem:s25+$0x4230] =	vst v63  }
0xdb: {  	[tilespmem:s25+$0x4220] =	vst v3  }
0xdc: {  	s1 =	rddreg [dreg:$0xb]  }
0xdd: {  	s11 =	simm.s32 $0x0;
	s2 =	simm.s32 $0x4200;
	s1 =	sadd.s32 s10, s1  }
0xde: {  	[hbm4b:s1+s11] =	stream.linear.scatter [tilespmem:s2], [sflag:$0x6], $0x4000, $0x38;
	[tilespmem:$0x18200] =	vst v63  }
0xdf: {  	_ =	swait.ge [sflag:s18], $0x4000  }
0xe0: {  	[sflag:s18] =	ssyncset.done $0x0  }
0xe1: {  	[sflag:s18] =	ssyncadd.s32 $0xFFFFC000  }
0xe2: {  	_ =	swait.ge [sflag:s26], $0x4000  }
0xe3: {  	[sflag:s26] =	ssyncset.done $0x0  }
0xe4: {  	[sflag:s26] =	ssyncadd.s32 $0xFFFFC000  }
0xe5: {  	v3 =	vld [tilespmem:s9+$0x0];
	_ =	sdelay $0x4  }
0xe6: {  	v4 =	vshll.u32 v3, $0x3  }
0xe7: {  	v3 =	vand.u32 $0x7, v3;
	v4 =	vand.u32 $0xFFFFFFC0, v4  }
0xe8: {  	v3 =	vor.u32 v3, v4  }
0xe9: {  	v4 =	vperm.xlane v3, v0;
	_ =	sdelay $0x1  }
0xea: {  	v4 =	vadd.s32 v1, v4;
	_ =	sdelay $0x3  }
0xeb: {  	s2 =	simm.s32 $0x200  }
0xec: {  	[tilespmem:s2], [sflag:$0x1] =	stream.indirect_vreg.gather [hbm4b:s3+s11], $0x80, v4, vm0, $0xb8;
	[tilespmem:$0x18200] =	vst v63  }
0xed: {  	s4 =	simm.s32 $0xA00;
	v3 =	vperm.xlane v3, v2  }
0xee: {  	[tilespmem:s4], [sflag:$0x1] =	stream.indirect_vreg.gather [hbm4b:s12+s11], $0x80, v4, vm0, $0xb8;
	[tilespmem:$0x18200] =	vst v63  }
0xef: {  	s6 =	simm.s32 $0x1200;
	v3 =	vadd.s32 v1, v3  }
0xf0: {  	[tilespmem:s6], [sflag:$0x1] =	stream.indirect_vreg.gather [hbm4b:s13+s11], $0x80, v4, vm0, $0xb8;
	[tilespmem:$0x18200] =	vst v63  }
0xf1: {  	s19 =	simm.s32 $0x1A00  }
0xf2: {  	[tilespmem:s19], [sflag:$0x1] =	stream.indirect_vreg.gather [hbm4b:s14+s11], $0x80, v4, vm0, $0xb8;
	[tilespmem:$0x18200] =	vst v63  }
0xf3: {  	s21 =	simm.s32 $0x2200  }
0xf4: {  	[tilespmem:s21], [sflag:$0x1] =	stream.indirect_vreg.gather [hbm4b:s3+s11], $0x80, v3, vm0, $0xb8;
	[tilespmem:$0x18200] =	vst v63  }
0xf5: {  	s25 =	simm.s32 $0x2A00  }
0xf6: {  	[tilespmem:s25], [sflag:$0x1] =	stream.indirect_vreg.gather [hbm4b:s12+s11], $0x80, v3, vm0, $0xb8;
	[tilespmem:$0x18200] =	vst v63  }
0xf7: {  	s30 =	simm.s32 $0x3200  }
0xf8: {  	[tilespmem:s30], [sflag:$0x1] =	stream.indirect_vreg.gather [hbm4b:s13+s11], $0x80, v3, vm0, $0xb8;
	[tilespmem:$0x18200] =	vst v63  }
0xf9: {  	s31 =	simm.s32 $0x3A00;
	s1 =	simm.s32 $0x0  }
0xfa: {  	[tilespmem:s31], [sflag:$0x1] =	stream.indirect_vreg.gather [hbm4b:s14+s11], $0x80, v3, vm0, $0xb8;
	[tilespmem:$0x18200] =	vst v63  }
.LBB2_11:
0xfb: {  	s2 =	sshll.u32 s1, $0xA;
	s4 =	sshll.u32 s1, $0x7  }
0xfc: {  	s2 =	sand.u32 $0x2000, s2;
	s4 =	sand.u32 $0x380, s4  }
0xfd: {  	s19 =	sand.u32 $0x40, s11;
	s4 =	sor.u32 s2, s4  }
0xfe: {  	s6 =	sand.u32 $0x1C00, s11;
	s2 =	sor.u32 s19, s4  }
0xff: {  	s19 =	sor.u32 s6, s2  }
0x100: {  	v8 =	vld [tilespmem:s19+$0x10230]  }
0x101: {  	v10 =	vld [tilespmem:s19+$0x10220]  }
0x102: {  	v7 =	vld [tilespmem:s19+$0x10200]  }
0x103: {  	v3 =	vld [tilespmem:s19+$0x10210]  }
0x104: {  	s21 =	simm.s32 $0x40;
	v5 =	vld [tilespmem:s19+$0x8210]  }
0x105: {  	s2 =	sand.u32 $0x40, s21;
	s21 =	simm.s32 $0x200;
	v9 =	vld [tilespmem:s19+$0x8200]  }
0x106: {  	s25 =	sand.u32 $0x1C00, s21;
	s2 =	sor.u32 s2, s4;
	v11 =	vld [tilespmem:s19+$0x8230]  }
0x107: {  	v12 =	vld [tilespmem:s19+$0x8220];
	s25 =	sor.u32 s25, s2  }
0x108: {  	v6 =	vld [tilespmem:s25+$0x10230]  }
0x109: {  	v4 =	vld [tilespmem:s25+$0x10220];
	v13 =	vadd.f32 v3, v5  }
0x10a: {  	v3 =	vld [tilespmem:s25+$0x10200];
	v14 =	vadd.f32 v7, v9  }
0x10b: {  	v5 =	vld [tilespmem:s25+$0x10210];
	v9 =	vadd.f32 v8, v11;
	[tilespmem:s19+$0x8210] =	vst v13  }
0x10c: {  	s30 =	simm.s32 $0x4;
	s31 =	simm.s32 $0x80;
	v8 =	vadd.f32 v10, v12;
	v7 =	vld [tilespmem:s25+$0x8210];
	[tilespmem:s19+$0x8200] =	vst v14  }
.LBB2_12:
0x10d: {  	s2 =	sand.u32 $0x40, s31;
	s30 =	sadd.s32 $0x4, s30;
	v10 =	vld [tilespmem:s25+$0x8200];
	s21 =	sadd.s32 $0x200, s21;
	[tilespmem:s19+$0x8230] =	vst v9;
	v9 =	vmov v6  }
0x10e: {  	s6 =	sand.u32 $0x1C00, s21;
	s2 =	sor.u32 s2, s4;
	p0 =	slt.u32 s30, $0x3C;
	v11 =	vld [tilespmem:s25+$0x8230];
	[tilespmem:s19+$0x8220] =	vst v8;
	v8 =	vmov v4  }
0x10f: {  	s19 =	smov.u32 s25;
	v12 =	vld [tilespmem:s25+$0x8220];
	s25 =	sor.u32 s6, s2  }
.Ltmp4:
0x110: {  	v6 =	vld [tilespmem:s25+$0x10230];
	(pc) =	sbr.rel @p0 .LBB2_12-.Ltmp4, $4  }
0x111: {  	v4 =	vld [tilespmem:s25+$0x10220];
	v7 =	vadd.f32 v5, v7  }
0x112: {  	v10 =	vadd.f32 v3, v10;
	v3 =	vld [tilespmem:s25+$0x10200]  }
0x113: {  	v5 =	vld [tilespmem:s25+$0x10210];
	[tilespmem:s19+$0x8210] =	vst v7;
	v9 =	vadd.f32 v9, v11  }
0x114: {  	s31 =	sadd.s32 $0x40, s31;
	v7 =	vld [tilespmem:s25+$0x8210];
	[tilespmem:s19+$0x8200] =	vst v10;
	v8 =	vadd.f32 v8, v12  }
0x115: {  	v10 =	vld [tilespmem:s25+$0x8200];
	[tilespmem:s19+$0x8230] =	vst v9  }
0x116: {  	v9 =	vld [tilespmem:s25+$0x8230];
	[tilespmem:s19+$0x8220] =	vst v8  }
0x117: {  	v8 =	vld [tilespmem:s25+$0x8220]  }
0x118: {  	s1 =	sadd.s32 $0x1, s1  }
0x119: {  	p0 =	sne.s32 s1, $0x10;
	v5 =	vadd.f32 v5, v7  }
.Ltmp5:
0x11a: {  	v3 =	vadd.f32 v3, v10;
	(pc) =	sbr.rel @p0 .LBB2_11-.Ltmp5, $4  }
0x11b: {  	[tilespmem:s25+$0x8210] =	vst v5;
	v63 =	vadd.f32 v6, v9  }
0x11c: {  	[tilespmem:s25+$0x8200] =	vst v3;
	v3 =	vadd.f32 v4, v8  }
0x11d: {  	[tilespmem:s25+$0x8230] =	vst v63  }
0x11e: {  	[tilespmem:s25+$0x8220] =	vst v3  }
0x11f: {  	s1 =	sadd.s32 s10, s16;
	s11 =	simm.s32 $0x0  }
0x120: {  	[hbm4b:s1+s11] =	stream.linear.scatter [tilespmem:s7], [sflag:$0x7], $0x4000, $0x38;
	[tilespmem:$0x18200] =	vst v63  }
0x121: {  	_ =	swait.ge [sflag:s28], $0x4000  }
0x122: {  	[sflag:s28] =	ssyncset.done $0x0  }
0x123: {  	[sflag:s28] =	ssyncadd.s32 $0xFFFFC000  }
0x124: {  	_ =	swait.ge [sflag:s29], $0x4000  }
0x125: {  	[sflag:s29] =	ssyncset.done $0x0  }
0x126: {  	[sflag:s29] =	ssyncadd.s32 $0xFFFFC000  }
0x127: {  	v3 =	vld [tilespmem:s9+$0x80];
	_ =	sdelay $0x4  }
0x128: {  	v4 =	vshll.u32 v3, $0x3  }
0x129: {  	v3 =	vand.u32 $0x7, v3;
	v4 =	vand.u32 $0xFFFFFFC0, v4  }
0x12a: {  	v3 =	vor.u32 v3, v4  }
0x12b: {  	v4 =	vperm.xlane v3, v0;
	_ =	sdelay $0x1  }
0x12c: {  	v4 =	vadd.s32 v1, v4;
	_ =	sdelay $0x3  }
0x12d: {  	s2 =	simm.s32 $0x4200  }
0x12e: {  	[tilespmem:s2], [sflag:$0x2] =	stream.indirect_vreg.gather [hbm4b:s3+s11], $0x80, v4, vm0, $0xb8;
	[tilespmem:$0x18200] =	vst v63  }
0x12f: {  	s4 =	simm.s32 $0x4A00;
	v3 =	vperm.xlane v3, v2  }
0x130: {  	[tilespmem:s4], [sflag:$0x2] =	stream.indirect_vreg.gather [hbm4b:s12+s11], $0x80, v4, vm0, $0xb8;
	[tilespmem:$0x18200] =	vst v63  }
0x131: {  	s6 =	simm.s32 $0x5200;
	v3 =	vadd.s32 v1, v3  }
0x132: {  	[tilespmem:s6], [sflag:$0x2] =	stream.indirect_vreg.gather [hbm4b:s13+s11], $0x80, v4, vm0, $0xb8;
	[tilespmem:$0x18200] =	vst v63  }
0x133: {  	s19 =	simm.s32 $0x5A00  }
0x134: {  	[tilespmem:s19], [sflag:$0x2] =	stream.indirect_vreg.gather [hbm4b:s14+s11], $0x80, v4, vm0, $0xb8;
	[tilespmem:$0x18200] =	vst v63  }
0x135: {  	s21 =	simm.s32 $0x6200  }
0x136: {  	[tilespmem:s21], [sflag:$0x2] =	stream.indirect_vreg.gather [hbm4b:s3+s11], $0x80, v3, vm0, $0xb8;
	[tilespmem:$0x18200] =	vst v63  }
0x137: {  	s25 =	simm.s32 $0x6A00  }
0x138: {  	[tilespmem:s25], [sflag:$0x2] =	stream.indirect_vreg.gather [hbm4b:s12+s11], $0x80, v3, vm0, $0xb8;
	[tilespmem:$0x18200] =	vst v63  }
0x139: {  	s30 =	simm.s32 $0x7200  }
0x13a: {  	[tilespmem:s30], [sflag:$0x2] =	stream.indirect_vreg.gather [hbm4b:s13+s11], $0x80, v3, vm0, $0xb8;
	[tilespmem:$0x18200] =	vst v63  }
0x13b: {  	s31 =	simm.s32 $0x7A00;
	s1 =	simm.s32 $0x0  }
0x13c: {  	[tilespmem:s31], [sflag:$0x2] =	stream.indirect_vreg.gather [hbm4b:s14+s11], $0x80, v3, vm0, $0xb8;
	[tilespmem:$0x18200] =	vst v63  }
.LBB2_15:
0x13d: {  	s2 =	sshll.u32 s1, $0xA;
	s4 =	sshll.u32 s1, $0x7  }
0x13e: {  	s2 =	sand.u32 $0x2000, s2;
	s4 =	sand.u32 $0x380, s4  }
0x13f: {  	s19 =	sand.u32 $0x40, s11;
	s4 =	sor.u32 s2, s4  }
0x140: {  	s6 =	sand.u32 $0x1C00, s11;
	s2 =	sor.u32 s19, s4  }
0x141: {  	s19 =	sor.u32 s6, s2  }
0x142: {  	v8 =	vld [tilespmem:s19+$0x10230]  }
0x143: {  	v10 =	vld [tilespmem:s19+$0x10220]  }
0x144: {  	v7 =	vld [tilespmem:s19+$0x10200]  }
0x145: {  	v3 =	vld [tilespmem:s19+$0x10210]  }
0x146: {  	s21 =	simm.s32 $0x40;
	v5 =	vld [tilespmem:s19+$0xC210]  }
0x147: {  	s2 =	sand.u32 $0x40, s21;
	s21 =	simm.s32 $0x200;
	v9 =	vld [tilespmem:s19+$0xC200]  }
0x148: {  	s25 =	sand.u32 $0x1C00, s21;
	s2 =	sor.u32 s2, s4;
	v11 =	vld [tilespmem:s19+$0xC230]  }
0x149: {  	v12 =	vld [tilespmem:s19+$0xC220];
	s25 =	sor.u32 s25, s2  }
0x14a: {  	v6 =	vld [tilespmem:s25+$0x10230]  }
0x14b: {  	v4 =	vld [tilespmem:s25+$0x10220];
	v13 =	vadd.f32 v3, v5  }
0x14c: {  	v3 =	vld [tilespmem:s25+$0x10200];
	v14 =	vadd.f32 v7, v9  }
0x14d: {  	v5 =	vld [tilespmem:s25+$0x10210];
	v9 =	vadd.f32 v8, v11;
	[tilespmem:s19+$0xC210] =	vst v13  }
0x14e: {  	s30 =	simm.s32 $0x4;
	s31 =	simm.s32 $0x80;
	v8 =	vadd.f32 v10, v12;
	v7 =	vld [tilespmem:s25+$0xC210];
	[tilespmem:s19+$0xC200] =	vst v14  }
.LBB2_16:
0x14f: {  	s2 =	sand.u32 $0x40, s31;
	s30 =	sadd.s32 $0x4, s30;
	v10 =	vld [tilespmem:s25+$0xC200];
	s21 =	sadd.s32 $0x200, s21;
	[tilespmem:s19+$0xC230] =	vst v9;
	v9 =	vmov v6  }
0x150: {  	s6 =	sand.u32 $0x1C00, s21;
	s2 =	sor.u32 s2, s4;
	p0 =	slt.u32 s30, $0x3C;
	v11 =	vld [tilespmem:s25+$0xC230];
	[tilespmem:s19+$0xC220] =	vst v8;
	v8 =	vmov v4  }
0x151: {  	s19 =	smov.u32 s25;
	v12 =	vld [tilespmem:s25+$0xC220];
	s25 =	sor.u32 s6, s2  }
.Ltmp6:
0x152: {  	v6 =	vld [tilespmem:s25+$0x10230];
	(pc) =	sbr.rel @p0 .LBB2_16-.Ltmp6, $4  }
0x153: {  	v4 =	vld [tilespmem:s25+$0x10220];
	v7 =	vadd.f32 v5, v7  }
0x154: {  	v10 =	vadd.f32 v3, v10;
	v3 =	vld [tilespmem:s25+$0x10200]  }
0x155: {  	v5 =	vld [tilespmem:s25+$0x10210];
	[tilespmem:s19+$0xC210] =	vst v7;
	v9 =	vadd.f32 v9, v11  }
0x156: {  	s31 =	sadd.s32 $0x40, s31;
	v7 =	vld [tilespmem:s25+$0xC210];
	[tilespmem:s19+$0xC200] =	vst v10;
	v8 =	vadd.f32 v8, v12  }
0x157: {  	v10 =	vld [tilespmem:s25+$0xC200];
	[tilespmem:s19+$0xC230] =	vst v9  }
0x158: {  	v9 =	vld [tilespmem:s25+$0xC230];
	[tilespmem:s19+$0xC220] =	vst v8  }
0x159: {  	v8 =	vld [tilespmem:s25+$0xC220]  }
0x15a: {  	s1 =	sadd.s32 $0x1, s1  }
0x15b: {  	p0 =	sne.s32 s1, $0x10;
	v5 =	vadd.f32 v5, v7  }
.Ltmp7:
0x15c: {  	v3 =	vadd.f32 v3, v10;
	(pc) =	sbr.rel @p0 .LBB2_15-.Ltmp7, $4  }
0x15d: {  	[tilespmem:s25+$0xC210] =	vst v5;
	v63 =	vadd.f32 v6, v9  }
0x15e: {  	[tilespmem:s25+$0xC200] =	vst v3;
	v3 =	vadd.f32 v4, v8  }
0x15f: {  	[tilespmem:s25+$0xC230] =	vst v63  }
0x160: {  	[tilespmem:s25+$0xC220] =	vst v3  }
0x161: {  	s1 =	sadd.s32 s10, s17;
	s2 =	simm.s32 $0xA  }
0x162: {  	[hbm4b:s1+s5] =	stream.linear.scatter [tilespmem:s23], [sflag:$0x8], $0x4000, $0x38;
	[tilespmem:$0x18200] =	vst v63  }
0x163: {  	_ =	swait.ge [sflag:s2], $0x4000  }
0x164: {  	p0 =	seq.s32 s0, $0x3;
	s1 =	rddreg [dreg:$0xc]  }
0x165: {  	s1 =	sadd.s32 @!p0 s8, s1  }
0x166: {  	s4 =	simm.s32 @!p0 $0x10200;
	[sflag:s2] =	ssyncset.done $0x0;
	s1 =	sshll.u32 @!p0 s1, $0x7  }
0x167: {  	[sflag:s2] =	ssyncadd.s32 $0xFFFFC000;
	s2 =	simm.s32 @!p0 $0x0;
	s1 =	sadd.s32 @!p0 s15, s1  }
0x168: {  	[tilespmem:s4], [sflag:$0x9] =	stream.linear.gather @!p0 [hbm4b:s1+s2], $0x4000, $0x38;
	[tilespmem:$0x18200] =	vst v63  }
0x169: {  	_ =	swait.ge [sflag:s20], $0x4000  }
0x16a: {  	[sflag:s20] =	ssyncset.done $0x0  }
0x16b: {  	s4 =	simm.s32 $0x7;
	[sflag:s20] =	ssyncadd.s32 $0xFFFFC000  }
0x16c: {  	_ =	swait.ge [sflag:s4], $0x4000  }
0x16d: {  	[sflag:s4] =	ssyncset.done $0x0  }
0x16e: {  	[sflag:s4] =	ssyncadd.s32 $0xFFFFC000  }
0x16f: {  	v3 =	vld [tilespmem:s9+$0x100];
	_ =	sdelay $0x4  }
0x170: {  	v4 =	vshll.u32 v3, $0x3  }
0x171: {  	v3 =	vand.u32 $0x7, v3;
	v4 =	vand.u32 $0xFFFFFFC0, v4  }
0x172: {  	v3 =	vor.u32 v3, v4  }
0x173: {  	v4 =	vperm.xlane v3, v0;
	_ =	sdelay $0x1  }
0x174: {  	v4 =	vadd.s32 v1, v4;
	_ =	sdelay $0x3  }
0x175: {  	s10 =	simm.s32 $0x0  }
0x176: {  	[tilespmem:s7], [sflag:$0x3] =	stream.indirect_vreg.gather [hbm4b:s3+s10], $0x80, v4, vm0, $0xb8;
	[tilespmem:$0x18200] =	vst v63  }
0x177: {  	s6 =	simm.s32 $0x8A00;
	v3 =	vperm.xlane v3, v2  }
0x178: {  	[tilespmem:s6], [sflag:$0x3] =	stream.indirect_vreg.gather [hbm4b:s12+s10], $0x80, v4, vm0, $0xb8;
	[tilespmem:$0x18200] =	vst v63  }
0x179: {  	s11 =	simm.s32 $0x9200;
	v3 =	vadd.s32 v1, v3  }
0x17a: {  	[tilespmem:s11], [sflag:$0x3] =	stream.indirect_vreg.gather [hbm4b:s13+s10], $0x80, v4, vm0, $0xb8;
	[tilespmem:$0x18200] =	vst v63  }
0x17b: {  	s31 =	smov.u32 s15;
	s15 =	simm.s32 $0x9A00  }
0x17c: {  	[tilespmem:s15], [sflag:$0x3] =	stream.indirect_vreg.gather [hbm4b:s14+s10], $0x80, v4, vm0, $0xb8;
	[tilespmem:$0x18200] =	vst v63  }
0x17d: {  	s19 =	simm.s32 $0xA200  }
0x17e: {  	[tilespmem:s19], [sflag:$0x3] =	stream.indirect_vreg.gather [hbm4b:s3+s10], $0x80, v3, vm0, $0xb8;
	[tilespmem:$0x18200] =	vst v63  }
0x17f: {  	s21 =	simm.s32 $0xAA00  }
0x180: {  	[tilespmem:s21], [sflag:$0x3] =	stream.indirect_vreg.gather [hbm4b:s12+s10], $0x80, v3, vm0, $0xb8;
	[tilespmem:$0x18200] =	vst v63  }
0x181: {  	s25 =	simm.s32 $0xB200  }
0x182: {  	[tilespmem:s25], [sflag:$0x3] =	stream.indirect_vreg.gather [hbm4b:s13+s10], $0x80, v3, vm0, $0xb8;
	[tilespmem:$0x18200] =	vst v63  }
0x183: {  	s30 =	simm.s32 $0xBA00;
	s1 =	simm.s32 $0x0  }
0x184: {  	[tilespmem:s30], [sflag:$0x3] =	stream.indirect_vreg.gather [hbm4b:s14+s10], $0x80, v3, vm0, $0xb8;
	[tilespmem:$0x18200] =	vst v63  }
.LBB2_19:
0x185: {  	s2 =	sshll.u32 s1, $0xA;
	s4 =	sshll.u32 s1, $0x7  }
0x186: {  	s2 =	sand.u32 $0x2000, s2;
	s4 =	sand.u32 $0x380, s4  }
0x187: {  	s19 =	sand.u32 $0x40, s10;
	s4 =	sor.u32 s2, s4  }
0x188: {  	s6 =	sand.u32 $0x1C00, s10;
	s2 =	sor.u32 s19, s4  }
0x189: {  	s19 =	sor.u32 s6, s2  }
0x18a: {  	v8 =	vld [tilespmem:s19+$0x14230]  }
0x18b: {  	v10 =	vld [tilespmem:s19+$0x14220]  }
0x18c: {  	v7 =	vld [tilespmem:s19+$0x14200]  }
0x18d: {  	v3 =	vld [tilespmem:s19+$0x14210]  }
0x18e: {  	s21 =	simm.s32 $0x40;
	v5 =	vld [tilespmem:s19+$0x210]  }
0x18f: {  	s2 =	sand.u32 $0x40, s21;
	s21 =	simm.s32 $0x200;
	v9 =	vld [tilespmem:s19+$0x200]  }
0x190: {  	s25 =	sand.u32 $0x1C00, s21;
	s2 =	sor.u32 s2, s4;
	v11 =	vld [tilespmem:s19+$0x230]  }
0x191: {  	v12 =	vld [tilespmem:s19+$0x220];
	s11 =	sor.u32 s25, s2  }
0x192: {  	v6 =	vld [tilespmem:s11+$0x14230]  }
0x193: {  	v4 =	vld [tilespmem:s11+$0x14220];
	v13 =	vadd.f32 v3, v5  }
0x194: {  	v3 =	vld [tilespmem:s11+$0x14200];
	v14 =	vadd.f32 v7, v9  }
0x195: {  	v5 =	vld [tilespmem:s11+$0x14210];
	v9 =	vadd.f32 v8, v11;
	[tilespmem:s19+$0x210] =	vst v13  }
0x196: {  	s30 =	simm.s32 $0x80;
	s25 =	simm.s32 $0x4;
	v8 =	vadd.f32 v10, v12;
	v7 =	vld [tilespmem:s11+$0x210];
	[tilespmem:s19+$0x200] =	vst v14  }
.LBB2_20:
0x197: {  	s2 =	sand.u32 $0x40, s30;
	s25 =	sadd.s32 $0x4, s25;
	v10 =	vld [tilespmem:s11+$0x200];
	s21 =	sadd.s32 $0x200, s21;
	[tilespmem:s19+$0x230] =	vst v9;
	v9 =	vmov v6  }
0x198: {  	s6 =	sand.u32 $0x1C00, s21;
	s2 =	sor.u32 s2, s4;
	p1 =	slt.u32 s25, $0x3C;
	v11 =	vld [tilespmem:s11+$0x230];
	[tilespmem:s19+$0x220] =	vst v8;
	v8 =	vmov v4  }
0x199: {  	s19 =	smov.u32 s11;
	v12 =	vld [tilespmem:s11+$0x220];
	s11 =	sor.u32 s6, s2  }
.Ltmp8:
0x19a: {  	v6 =	vld [tilespmem:s11+$0x14230];
	(pc) =	sbr.rel @p1 .LBB2_20-.Ltmp8, $4  }
0x19b: {  	v4 =	vld [tilespmem:s11+$0x14220];
	v7 =	vadd.f32 v5, v7  }
0x19c: {  	v10 =	vadd.f32 v3, v10;
	v3 =	vld [tilespmem:s11+$0x14200]  }
0x19d: {  	v5 =	vld [tilespmem:s11+$0x14210];
	[tilespmem:s19+$0x210] =	vst v7;
	v9 =	vadd.f32 v9, v11  }
0x19e: {  	s30 =	sadd.s32 $0x40, s30;
	v7 =	vld [tilespmem:s11+$0x210];
	[tilespmem:s19+$0x200] =	vst v10;
	v8 =	vadd.f32 v8, v12  }
0x19f: {  	v10 =	vld [tilespmem:s11+$0x200];
	[tilespmem:s19+$0x230] =	vst v9  }
0x1a0: {  	v9 =	vld [tilespmem:s11+$0x230];
	[tilespmem:s19+$0x220] =	vst v8  }
0x1a1: {  	v8 =	vld [tilespmem:s11+$0x220]  }
0x1a2: {  	s1 =	sadd.s32 $0x1, s1  }
0x1a3: {  	p1 =	sne.s32 s1, $0x10;
	v5 =	vadd.f32 v5, v7  }
.Ltmp9:
0x1a4: {  	v3 =	vadd.f32 v3, v10;
	(pc) =	sbr.rel @p1 .LBB2_19-.Ltmp9, $4  }
0x1a5: {  	[tilespmem:s11+$0x210] =	vst v5;
	v63 =	vadd.f32 v6, v9  }
0x1a6: {  	[tilespmem:s11+$0x200] =	vst v3;
	v3 =	vadd.f32 v4, v8  }
0x1a7: {  	[tilespmem:s11+$0x230] =	vst v63  }
0x1a8: {  	[tilespmem:s11+$0x220] =	vst v3  }
0x1a9: {  	s1 =	rddreg [dreg:$0x3]  }
0x1aa: {  	s10 =	simm.s32 $0x0;
	s2 =	simm.s32 $0x200;
	s1 =	sadd.s32 s1, s24  }
0x1ab: {  	[hbm4b:s1+s10] =	stream.linear.scatter [tilespmem:s2], [sflag:$0x5], $0x4000, $0x38;
	[tilespmem:$0x18200] =	vst v63  }
0x1ac: {  	_ =	swait.ge [sflag:s22], $0x4000  }
0x1ad: {  	[sflag:s22] =	ssyncset.done $0x0  }
0x1ae: {  	s6 =	simm.s32 $0x8;
	[sflag:s22] =	ssyncadd.s32 $0xFFFFC000  }
0x1af: {  	_ =	swait.ge [sflag:s6], $0x4000  }
0x1b0: {  	[sflag:s6] =	ssyncset.done $0x0  }
0x1b1: {  	[sflag:s6] =	ssyncadd.s32 $0xFFFFC000  }
0x1b2: {  	v3 =	vld [tilespmem:s9+$0x180];
	_ =	sdelay $0x4  }
0x1b3: {  	v4 =	vshll.u32 v3, $0x3  }
0x1b4: {  	v3 =	vand.u32 $0x7, v3;
	v4 =	vand.u32 $0xFFFFFFC0, v4  }
0x1b5: {  	v3 =	vor.u32 v3, v4  }
0x1b6: {  	v4 =	vperm.xlane v3, v0;
	_ =	sdelay $0x1  }
0x1b7: {  	v4 =	vadd.s32 v1, v4;
	_ =	sdelay $0x4  }
0x1b8: {  	[tilespmem:s23], [sflag:$0x4] =	stream.indirect_vreg.gather [hbm4b:s3+s10], $0x80, v4, vm0, $0xb8;
	[tilespmem:$0x18200] =	vst v63  }
0x1b9: {  	s9 =	simm.s32 $0xCA00;
	v3 =	vperm.xlane v3, v2  }
0x1ba: {  	[tilespmem:s9], [sflag:$0x4] =	stream.indirect_vreg.gather [hbm4b:s12+s10], $0x80, v4, vm0, $0xb8;
	[tilespmem:$0x18200] =	vst v63  }
0x1bb: {  	s11 =	simm.s32 $0xD200;
	v3 =	vadd.s32 v1, v3  }
0x1bc: {  	[tilespmem:s11], [sflag:$0x4] =	stream.indirect_vreg.gather [hbm4b:s13+s10], $0x80, v4, vm0, $0xb8;
	[tilespmem:$0x18200] =	vst v63  }
0x1bd: {  	s15 =	simm.s32 $0xDA00  }
0x1be: {  	[tilespmem:s15], [sflag:$0x4] =	stream.indirect_vreg.gather [hbm4b:s14+s10], $0x80, v4, vm0, $0xb8;
	[tilespmem:$0x18200] =	vst v63  }
0x1bf: {  	s19 =	simm.s32 $0xE200  }
0x1c0: {  	[tilespmem:s19], [sflag:$0x4] =	stream.indirect_vreg.gather [hbm4b:s3+s10], $0x80, v3, vm0, $0xb8;
	[tilespmem:$0x18200] =	vst v63  }
0x1c1: {  	s21 =	simm.s32 $0xEA00  }
0x1c2: {  	[tilespmem:s21], [sflag:$0x4] =	stream.indirect_vreg.gather [hbm4b:s12+s10], $0x80, v3, vm0, $0xb8;
	[tilespmem:$0x18200] =	vst v63  }
0x1c3: {  	s25 =	simm.s32 $0xF200  }
0x1c4: {  	[tilespmem:s25], [sflag:$0x4] =	stream.indirect_vreg.gather [hbm4b:s13+s10], $0x80, v3, vm0, $0xb8;
	[tilespmem:$0x18200] =	vst v63  }
0x1c5: {  	s30 =	simm.s32 $0xFA00;
	s1 =	simm.s32 $0x0  }
0x1c6: {  	[tilespmem:s30], [sflag:$0x4] =	stream.indirect_vreg.gather [hbm4b:s14+s10], $0x80, v3, vm0, $0xb8;
	[tilespmem:$0x18200] =	vst v63  }
.LBB2_23:
0x1c7: {  	s2 =	sshll.u32 s1, $0xA;
	s4 =	sshll.u32 s1, $0x7  }
0x1c8: {  	s2 =	sand.u32 $0x2000, s2;
	s4 =	sand.u32 $0x380, s4  }
0x1c9: {  	s21 =	sand.u32 $0x40, s10;
	s4 =	sor.u32 s2, s4  }
0x1ca: {  	s6 =	sand.u32 $0x1C00, s10;
	s2 =	sor.u32 s21, s4  }
0x1cb: {  	s11 =	sor.u32 s6, s2  }
0x1cc: {  	v8 =	vld [tilespmem:s11+$0x14230]  }
0x1cd: {  	v10 =	vld [tilespmem:s11+$0x14220]  }
0x1ce: {  	v7 =	vld [tilespmem:s11+$0x14200]  }
0x1cf: {  	v3 =	vld [tilespmem:s11+$0x14210]  }
0x1d0: {  	s25 =	simm.s32 $0x40;
	v5 =	vld [tilespmem:s11+$0x4210]  }
0x1d1: {  	s19 =	simm.s32 $0x200;
	s2 =	sand.u32 $0x40, s25;
	v9 =	vld [tilespmem:s11+$0x4200]  }
0x1d2: {  	s30 =	sand.u32 $0x1C00, s19;
	s2 =	sor.u32 s2, s4;
	v11 =	vld [tilespmem:s11+$0x4230]  }
0x1d3: {  	v12 =	vld [tilespmem:s11+$0x4220];
	s9 =	sor.u32 s30, s2  }
0x1d4: {  	v6 =	vld [tilespmem:s9+$0x14230]  }
0x1d5: {  	v4 =	vld [tilespmem:s9+$0x14220];
	v13 =	vadd.f32 v3, v5  }
0x1d6: {  	v3 =	vld [tilespmem:s9+$0x14200];
	v14 =	vadd.f32 v7, v9  }
0x1d7: {  	v5 =	vld [tilespmem:s9+$0x14210];
	v9 =	vadd.f32 v8, v11;
	[tilespmem:s11+$0x4210] =	vst v13  }
0x1d8: {  	s21 =	simm.s32 $0x4;
	s25 =	simm.s32 $0x80;
	v8 =	vadd.f32 v10, v12;
	v7 =	vld [tilespmem:s9+$0x4210];
	[tilespmem:s11+$0x4200] =	vst v14  }
.LBB2_24:
0x1d9: {  	s2 =	sand.u32 $0x40, s25;
	s21 =	sadd.s32 $0x4, s21;
	v10 =	vld [tilespmem:s9+$0x4200];
	s19 =	sadd.s32 $0x200, s19;
	[tilespmem:s11+$0x4230] =	vst v9;
	v9 =	vmov v6  }
0x1da: {  	s6 =	sand.u32 $0x1C00, s19;
	s2 =	sor.u32 s2, s4;
	p1 =	slt.u32 s21, $0x3C;
	v11 =	vld [tilespmem:s9+$0x4230];
	[tilespmem:s11+$0x4220] =	vst v8;
	v8 =	vmov v4  }
0x1db: {  	s11 =	smov.u32 s9;
	v12 =	vld [tilespmem:s9+$0x4220];
	s9 =	sor.u32 s6, s2  }
.Ltmp10:
0x1dc: {  	v6 =	vld [tilespmem:s9+$0x14230];
	(pc) =	sbr.rel @p1 .LBB2_24-.Ltmp10, $4  }
0x1dd: {  	v4 =	vld [tilespmem:s9+$0x14220];
	v7 =	vadd.f32 v5, v7  }
0x1de: {  	v10 =	vadd.f32 v3, v10;
	v3 =	vld [tilespmem:s9+$0x14200]  }
0x1df: {  	v5 =	vld [tilespmem:s9+$0x14210];
	[tilespmem:s11+$0x4210] =	vst v7;
	v9 =	vadd.f32 v9, v11  }
0x1e0: {  	s25 =	sadd.s32 $0x40, s25;
	v7 =	vld [tilespmem:s9+$0x4210];
	[tilespmem:s11+$0x4200] =	vst v10;
	v8 =	vadd.f32 v8, v12  }
0x1e1: {  	v10 =	vld [tilespmem:s9+$0x4200];
	[tilespmem:s11+$0x4230] =	vst v9  }
0x1e2: {  	v9 =	vld [tilespmem:s9+$0x4230];
	[tilespmem:s11+$0x4220] =	vst v8  }
0x1e3: {  	v8 =	vld [tilespmem:s9+$0x4220]  }
0x1e4: {  	s1 =	sadd.s32 $0x1, s1  }
0x1e5: {  	p1 =	sne.s32 s1, $0x10;
	v5 =	vadd.f32 v5, v7  }
.Ltmp11:
0x1e6: {  	v3 =	vadd.f32 v3, v10;
	(pc) =	sbr.rel @p1 .LBB2_23-.Ltmp11, $4  }
0x1e7: {  	[tilespmem:s9+$0x4210] =	vst v5;
	v63 =	vadd.f32 v6, v9  }
0x1e8: {  	[tilespmem:s9+$0x4200] =	vst v3;
	v3 =	vadd.f32 v4, v8  }
0x1e9: {  	[tilespmem:s9+$0x4230] =	vst v63  }
0x1ea: {  	[tilespmem:s9+$0x4220] =	vst v3  }
0x1eb: {  	s1 =	rddreg [dreg:$0xb]  }
0x1ec: {  	s2 =	simm.s32 $0x4200;
	s1 =	sadd.s32 s24, s1  }
0x1ed: {  	[hbm4b:s1+s5] =	stream.linear.scatter [tilespmem:s2], [sflag:$0x6], $0x4000, $0x38;
	[tilespmem:$0x18200] =	vst v63  }
0x1ee: {  	_ =	swait.ge [sflag:s18], $0x4000  }
0x1ef: {  	[sflag:s18] =	ssyncset.done $0x0  }
0x1f0: {  	[sflag:s18] =	ssyncadd.s32 $0xFFFFC000  }
0x1f1: {  	_ =	swait.ge [sflag:s26], $0x4000  }
0x1f2: {  	s1 =	sshll.u32 @!p0 s0, $0x5;
	[sflag:s26] =	ssyncset.done $0x0  }
0x1f3: {  	s1 =	sand.u32 @!p0 $0x3FFFFFE0, s1;
	[sflag:s26] =	ssyncadd.s32 $0xFFFFC000  }
0x1f4: {  	v3 =	vld @!p0 [tilespmem:s1+$0x20];
	_ =	sdelay $0x4  }
0x1f5: {  	v4 =	vshll.u32 @!p0 v3, $0x3  }
0x1f6: {  	v5 =	vlaneseq.u32 @!p0;
	v3 =	vand.u32 @!p0 $0x7, v3;
	v4 =	vand.u32 @!p0 $0xFFFFFFC0, v4  }
0x1f7: {  	v6 =	vshrl.u32 @!p0 v5, $0x3;
	v3 =	vor.u32 @!p0 v3, v4;
	v4 =	vand.u32 @!p0 $0x7, v5  }
0x1f8: {  	v6 =	vmul.u32 @!p0 $0x8, v6;
	v4 =	vperm.xlane @!p0 v3, v4;
	_ =	sdelay $0x1  }
0x1f9: {  	v4 =	vadd.s32 @!p0 v6, v4;
	_ =	sdelay $0x3  }
0x1fa: {  	vm1 =	vmmov @!p0 $0xffff;
	s2 =	simm.s32 @!p0 $0x200;
	s1 =	simm.s32 @!p0 $0x0  }
0x1fb: {  	v5 =	vor.u32 @!p0 $0x8, v5;
	[tilespmem:s2], [sflag:$0x1] =	stream.indirect_vreg.gather @!p0 [hbm4b:s3+s1], $0x80, v4, vm1, $0xb8;
	[tilespmem:$0x18200] =	vst v63  }
0x1fc: {  	v3 =	vperm.xlane @!p0 v3, v5;
	s2 =	simm.s32 @!p0 $0xA00  }
0x1fd: {  	[tilespmem:s2], [sflag:$0x1] =	stream.indirect_vreg.gather @!p0 [hbm4b:s12+s1], $0x80, v4, vm1, $0xb8;
	[tilespmem:$0x18200] =	vst v63  }
0x1fe: {  	v3 =	vadd.s32 @!p0 v6, v3;
	s2 =	simm.s32 @!p0 $0x1200  }
0x1ff: {  	[tilespmem:s2], [sflag:$0x1] =	stream.indirect_vreg.gather @!p0 [hbm4b:s13+s1], $0x80, v4, vm1, $0xb8;
	[tilespmem:$0x18200] =	vst v63  }
0x200: {  	s2 =	simm.s32 @!p0 $0x1A00  }
0x201: {  	[tilespmem:s2], [sflag:$0x1] =	stream.indirect_vreg.gather @!p0 [hbm4b:s14+s1], $0x80, v4, vm1, $0xb8;
	[tilespmem:$0x18200] =	vst v63  }
0x202: {  	s2 =	simm.s32 @!p0 $0x2200  }
0x203: {  	[tilespmem:s2], [sflag:$0x1] =	stream.indirect_vreg.gather @!p0 [hbm4b:s3+s1], $0x80, v3, vm1, $0xb8;
	[tilespmem:$0x18200] =	vst v63  }
0x204: {  	s2 =	simm.s32 @!p0 $0x2A00  }
0x205: {  	[tilespmem:s2], [sflag:$0x1] =	stream.indirect_vreg.gather @!p0 [hbm4b:s12+s1], $0x80, v3, vm1, $0xb8;
	[tilespmem:$0x18200] =	vst v63  }
0x206: {  	s2 =	simm.s32 @!p0 $0x3200  }
0x207: {  	[tilespmem:s2], [sflag:$0x1] =	stream.indirect_vreg.gather @!p0 [hbm4b:s13+s1], $0x80, v3, vm1, $0xb8;
	[tilespmem:$0x18200] =	vst v63  }
0x208: {  	s2 =	simm.s32 @!p0 $0x3A00  }
0x209: {  	[tilespmem:s2], [sflag:$0x1] =	stream.indirect_vreg.gather @!p0 [hbm4b:s14+s1], $0x80, v3, vm1, $0xb8;
	[tilespmem:$0x18200] =	vst v63  }
0x20a: {  	s9 =	simm.s32 $0x0;
	s1 =	simm.s32 $0x0  }
.LBB2_27:
0x20b: {  	s2 =	sshll.u32 s1, $0xA;
	s4 =	sshll.u32 s1, $0x7  }
0x20c: {  	s2 =	sand.u32 $0x2000, s2;
	s4 =	sand.u32 $0x380, s4  }
0x20d: {  	s21 =	sand.u32 $0x40, s9;
	s4 =	sor.u32 s2, s4  }
0x20e: {  	s6 =	sand.u32 $0x1C00, s9;
	s2 =	sor.u32 s21, s4  }
0x20f: {  	s11 =	sor.u32 s6, s2  }
0x210: {  	v8 =	vld [tilespmem:s11+$0x14230]  }
0x211: {  	v10 =	vld [tilespmem:s11+$0x14220]  }
0x212: {  	v7 =	vld [tilespmem:s11+$0x14200]  }
0x213: {  	v3 =	vld [tilespmem:s11+$0x14210]  }
0x214: {  	s25 =	simm.s32 $0x40;
	v5 =	vld [tilespmem:s11+$0x8210]  }
0x215: {  	s19 =	simm.s32 $0x200;
	s2 =	sand.u32 $0x40, s25;
	v9 =	vld [tilespmem:s11+$0x8200]  }
0x216: {  	s30 =	sand.u32 $0x1C00, s19;
	s2 =	sor.u32 s2, s4;
	v11 =	vld [tilespmem:s11+$0x8230]  }
0x217: {  	v12 =	vld [tilespmem:s11+$0x8220];
	s10 =	sor.u32 s30, s2  }
0x218: {  	v6 =	vld [tilespmem:s10+$0x14230]  }
0x219: {  	v4 =	vld [tilespmem:s10+$0x14220];
	v13 =	vadd.f32 v3, v5  }
0x21a: {  	v3 =	vld [tilespmem:s10+$0x14200];
	v14 =	vadd.f32 v7, v9  }
0x21b: {  	v5 =	vld [tilespmem:s10+$0x14210];
	v9 =	vadd.f32 v8, v11;
	[tilespmem:s11+$0x8210] =	vst v13  }
0x21c: {  	s21 =	simm.s32 $0x4;
	s25 =	simm.s32 $0x80;
	v8 =	vadd.f32 v10, v12;
	v7 =	vld [tilespmem:s10+$0x8210];
	[tilespmem:s11+$0x8200] =	vst v14  }
.LBB2_28:
0x21d: {  	s2 =	sand.u32 $0x40, s25;
	s21 =	sadd.s32 $0x4, s21;
	v10 =	vld [tilespmem:s10+$0x8200];
	s19 =	sadd.s32 $0x200, s19;
	[tilespmem:s11+$0x8230] =	vst v9;
	v9 =	vmov v6  }
0x21e: {  	s6 =	sand.u32 $0x1C00, s19;
	s2 =	sor.u32 s2, s4;
	p1 =	slt.u32 s21, $0x3C;
	v11 =	vld [tilespmem:s10+$0x8230];
	[tilespmem:s11+$0x8220] =	vst v8;
	v8 =	vmov v4  }
0x21f: {  	s11 =	smov.u32 s10;
	v12 =	vld [tilespmem:s10+$0x8220];
	s10 =	sor.u32 s6, s2  }
.Ltmp12:
0x220: {  	v6 =	vld [tilespmem:s10+$0x14230];
	(pc) =	sbr.rel @p1 .LBB2_28-.Ltmp12, $4  }
0x221: {  	v4 =	vld [tilespmem:s10+$0x14220];
	v7 =	vadd.f32 v5, v7  }
0x222: {  	v10 =	vadd.f32 v3, v10;
	v3 =	vld [tilespmem:s10+$0x14200]  }
0x223: {  	v5 =	vld [tilespmem:s10+$0x14210];
	[tilespmem:s11+$0x8210] =	vst v7;
	v9 =	vadd.f32 v9, v11  }
0x224: {  	s25 =	sadd.s32 $0x40, s25;
	v7 =	vld [tilespmem:s10+$0x8210];
	[tilespmem:s11+$0x8200] =	vst v10;
	v8 =	vadd.f32 v8, v12  }
0x225: {  	v10 =	vld [tilespmem:s10+$0x8200];
	[tilespmem:s11+$0x8230] =	vst v9  }
0x226: {  	v9 =	vld [tilespmem:s10+$0x8230];
	[tilespmem:s11+$0x8220] =	vst v8  }
0x227: {  	v8 =	vld [tilespmem:s10+$0x8220]  }
0x228: {  	s1 =	sadd.s32 $0x1, s1  }
0x229: {  	p1 =	sne.s32 s1, $0x10;
	v5 =	vadd.f32 v5, v7  }
.Ltmp13:
0x22a: {  	v3 =	vadd.f32 v3, v10;
	(pc) =	sbr.rel @p1 .LBB2_27-.Ltmp13, $4  }
0x22b: {  	[tilespmem:s10+$0x8210] =	vst v5;
	v63 =	vadd.f32 v6, v9  }
0x22c: {  	[tilespmem:s10+$0x8200] =	vst v3;
	v3 =	vadd.f32 v4, v8  }
0x22d: {  	[tilespmem:s10+$0x8230] =	vst v63  }
0x22e: {  	[tilespmem:s10+$0x8220] =	vst v3  }
0x22f: {  	s1 =	sadd.s32 s24, s16  }
0x230: {  	[hbm4b:s1+s5] =	stream.linear.scatter [tilespmem:s7], [sflag:$0x7], $0x4000, $0x38;
	[tilespmem:$0x18200] =	vst v63  }
0x231: {  	_ =	swait.ge [sflag:s28], $0x4000  }
0x232: {  	[sflag:s28] =	ssyncset.done $0x0  }
0x233: {  	[sflag:s28] =	ssyncadd.s32 $0xFFFFC000  }
0x234: {  	_ =	swait.ge [sflag:s29], $0x4000  }
0x235: {  	s1 =	sadd.s32 @!p0 $0x20, s8;
	[sflag:s29] =	ssyncset.done $0x0  }
0x236: {  	s1 =	sand.u32 @!p0 $0xE0, s1;
	[sflag:s29] =	ssyncadd.s32 $0xFFFFC000  }
0x237: {  	v3 =	vld @!p0 [tilespmem:s1+$0x80];
	_ =	sdelay $0x4  }
0x238: {  	v4 =	vshll.u32 @!p0 v3, $0x3  }
0x239: {  	v5 =	vlaneseq.u32 @!p0;
	v3 =	vand.u32 @!p0 $0x7, v3;
	v4 =	vand.u32 @!p0 $0xFFFFFFC0, v4  }
0x23a: {  	v6 =	vshrl.u32 @!p0 v5, $0x3;
	v3 =	vor.u32 @!p0 v3, v4;
	v4 =	vand.u32 @!p0 $0x7, v5  }
0x23b: {  	v6 =	vmul.u32 @!p0 $0x8, v6;
	v4 =	vperm.xlane @!p0 v3, v4;
	_ =	sdelay $0x1  }
0x23c: {  	v4 =	vadd.s32 @!p0 v6, v4;
	_ =	sdelay $0x3  }
0x23d: {  	s2 =	simm.s32 @!p0 $0x4200;
	s1 =	simm.s32 @!p0 $0x0  }
0x23e: {  	v5 =	vor.u32 @!p0 $0x8, v5;
	[tilespmem:s2], [sflag:$0x2] =	stream.indirect_vreg.gather @!p0 [hbm4b:s3+s1], $0x80, v4, vm1, $0xb8;
	[tilespmem:$0x18200] =	vst v63  }
0x23f: {  	v3 =	vperm.xlane @!p0 v3, v5;
	s2 =	simm.s32 @!p0 $0x4A00  }
0x240: {  	[tilespmem:s2], [sflag:$0x2] =	stream.indirect_vreg.gather @!p0 [hbm4b:s12+s1], $0x80, v4, vm1, $0xb8;
	[tilespmem:$0x18200] =	vst v63  }
0x241: {  	v3 =	vadd.s32 @!p0 v6, v3;
	s2 =	simm.s32 @!p0 $0x5200  }
0x242: {  	[tilespmem:s2], [sflag:$0x2] =	stream.indirect_vreg.gather @!p0 [hbm4b:s13+s1], $0x80, v4, vm1, $0xb8;
	[tilespmem:$0x18200] =	vst v63  }
0x243: {  	s2 =	simm.s32 @!p0 $0x5A00  }
0x244: {  	[tilespmem:s2], [sflag:$0x2] =	stream.indirect_vreg.gather @!p0 [hbm4b:s14+s1], $0x80, v4, vm1, $0xb8;
	[tilespmem:$0x18200] =	vst v63  }
0x245: {  	s2 =	simm.s32 @!p0 $0x6200  }
0x246: {  	[tilespmem:s2], [sflag:$0x2] =	stream.indirect_vreg.gather @!p0 [hbm4b:s3+s1], $0x80, v3, vm1, $0xb8;
	[tilespmem:$0x18200] =	vst v63  }
0x247: {  	s2 =	simm.s32 @!p0 $0x6A00  }
0x248: {  	[tilespmem:s2], [sflag:$0x2] =	stream.indirect_vreg.gather @!p0 [hbm4b:s12+s1], $0x80, v3, vm1, $0xb8;
	[tilespmem:$0x18200] =	vst v63  }
0x249: {  	s2 =	simm.s32 @!p0 $0x7200  }
0x24a: {  	[tilespmem:s2], [sflag:$0x2] =	stream.indirect_vreg.gather @!p0 [hbm4b:s13+s1], $0x80, v3, vm1, $0xb8;
	[tilespmem:$0x18200] =	vst v63  }
0x24b: {  	s2 =	simm.s32 @!p0 $0x7A00  }
0x24c: {  	[tilespmem:s2], [sflag:$0x2] =	stream.indirect_vreg.gather @!p0 [hbm4b:s14+s1], $0x80, v3, vm1, $0xb8;
	[tilespmem:$0x18200] =	vst v63  }
0x24d: {  	s8 =	simm.s32 $0x0;
	s1 =	simm.s32 $0x0  }
.LBB2_31:
0x24e: {  	s2 =	sshll.u32 s1, $0xA;
	s4 =	sshll.u32 s1, $0x7  }
0x24f: {  	s2 =	sand.u32 $0x2000, s2;
	s4 =	sand.u32 $0x380, s4  }
0x250: {  	s21 =	sand.u32 $0x40, s8;
	s4 =	sor.u32 s2, s4  }
0x251: {  	s6 =	sand.u32 $0x1C00, s8;
	s2 =	sor.u32 s21, s4  }
0x252: {  	s10 =	sor.u32 s6, s2  }
0x253: {  	v8 =	vld [tilespmem:s10+$0x14230]  }
0x254: {  	v10 =	vld [tilespmem:s10+$0x14220]  }
0x255: {  	v7 =	vld [tilespmem:s10+$0x14200]  }
0x256: {  	v3 =	vld [tilespmem:s10+$0x14210]  }
0x257: {  	s25 =	simm.s32 $0x40;
	v5 =	vld [tilespmem:s10+$0xC210]  }
0x258: {  	s11 =	simm.s32 $0x200;
	s2 =	sand.u32 $0x40, s25;
	v9 =	vld [tilespmem:s10+$0xC200]  }
0x259: {  	s30 =	sand.u32 $0x1C00, s11;
	s2 =	sor.u32 s2, s4;
	v11 =	vld [tilespmem:s10+$0xC230]  }
0x25a: {  	v12 =	vld [tilespmem:s10+$0xC220];
	s9 =	sor.u32 s30, s2  }
0x25b: {  	v6 =	vld [tilespmem:s9+$0x14230]  }
0x25c: {  	v4 =	vld [tilespmem:s9+$0x14220];
	v13 =	vadd.f32 v3, v5  }
0x25d: {  	v3 =	vld [tilespmem:s9+$0x14200];
	v14 =	vadd.f32 v7, v9  }
0x25e: {  	v5 =	vld [tilespmem:s9+$0x14210];
	v9 =	vadd.f32 v8, v11;
	[tilespmem:s10+$0xC210] =	vst v13  }
0x25f: {  	s19 =	simm.s32 $0x4;
	s21 =	simm.s32 $0x80;
	v8 =	vadd.f32 v10, v12;
	v7 =	vld [tilespmem:s9+$0xC210];
	[tilespmem:s10+$0xC200] =	vst v14  }
.LBB2_32:
0x260: {  	s2 =	sand.u32 $0x40, s21;
	s19 =	sadd.s32 $0x4, s19;
	v10 =	vld [tilespmem:s9+$0xC200];
	s11 =	sadd.s32 $0x200, s11;
	[tilespmem:s10+$0xC230] =	vst v9;
	v9 =	vmov v6  }
0x261: {  	s6 =	sand.u32 $0x1C00, s11;
	s2 =	sor.u32 s2, s4;
	p0 =	slt.u32 s19, $0x3C;
	v11 =	vld [tilespmem:s9+$0xC230];
	[tilespmem:s10+$0xC220] =	vst v8;
	v8 =	vmov v4  }
0x262: {  	s10 =	smov.u32 s9;
	v12 =	vld [tilespmem:s9+$0xC220];
	s9 =	sor.u32 s6, s2  }
.Ltmp14:
0x263: {  	v6 =	vld [tilespmem:s9+$0x14230];
	(pc) =	sbr.rel @p0 .LBB2_32-.Ltmp14, $4  }
0x264: {  	v4 =	vld [tilespmem:s9+$0x14220];
	v7 =	vadd.f32 v5, v7  }
0x265: {  	v10 =	vadd.f32 v3, v10;
	v3 =	vld [tilespmem:s9+$0x14200]  }
0x266: {  	v5 =	vld [tilespmem:s9+$0x14210];
	[tilespmem:s10+$0xC210] =	vst v7;
	v9 =	vadd.f32 v9, v11  }
0x267: {  	s21 =	sadd.s32 $0x40, s21;
	v7 =	vld [tilespmem:s9+$0xC210];
	[tilespmem:s10+$0xC200] =	vst v10;
	v8 =	vadd.f32 v8, v12  }
0x268: {  	v10 =	vld [tilespmem:s9+$0xC200];
	[tilespmem:s10+$0xC230] =	vst v9  }
0x269: {  	v9 =	vld [tilespmem:s9+$0xC230];
	[tilespmem:s10+$0xC220] =	vst v8  }
0x26a: {  	v8 =	vld [tilespmem:s9+$0xC220]  }
0x26b: {  	s1 =	sadd.s32 $0x1, s1  }
0x26c: {  	p0 =	sne.s32 s1, $0x10;
	v5 =	vadd.f32 v5, v7  }
.Ltmp15:
0x26d: {  	v3 =	vadd.f32 v3, v10;
	(pc) =	sbr.rel @p0 .LBB2_31-.Ltmp15, $4  }
0x26e: {  	[tilespmem:s9+$0xC210] =	vst v5;
	v63 =	vadd.f32 v6, v9  }
0x26f: {  	[tilespmem:s9+$0xC200] =	vst v3;
	v3 =	vadd.f32 v4, v8  }
0x270: {  	[tilespmem:s9+$0xC230] =	vst v63  }
0x271: {  	[tilespmem:s9+$0xC220] =	vst v3  }
0x272: {  	s0 =	sadd.s32 $0x1, s0  }
0x273: {  	p0 =	sne.s32 s0, $0x4  }
.Ltmp16:
0x274: {  	_ = 	snop;
	(pc) =	sbr.rel @p0 .LBB2_2-.Ltmp16, $3  }
0x275: {  	_ =	sdelay $0x1  }
0x276: {  	s1 =	sadd.s32 s24, s17  }
0x277: {  	[hbm4b:s1+s5] =	stream.linear.scatter [tilespmem:s23], [sflag:$0x8], $0x4000, $0x38;
	[tilespmem:$0x18200] =	vst v63  }
0x278: {  	s0 =	simm.s32 $0x7  }
0x279: {  	_ =	swait.ge [sflag:s0], $0x4000  }
0x27a: {  	[sflag:s0] =	ssyncset.done $0x0  }
0x27b: {  	s1 =	simm.s32 $0x8;
	[sflag:s0] =	ssyncadd.s32 $0xFFFFC000  }
0x27c: {  	_ =	swait.ge [sflag:s1], $0x4000  }
0x27d: {  	s2 =	rddreg [dreg:$0xe]  }
0x27e: {  	s30 =	rddreg [dreg:$0xd];
	s2 =	sadd.s32 $0x1, s2  }
0x27f: {  	p0 =	sne.s32 s2, s30  }
.Ltmp17:
0x280: {  	_ = 	snop;
	(pc) =	sbr.rel @p0 .LBB2_1-.Ltmp17, $3  }
0x281: {  	_ =	sdelay $0x1  }
0x282: {  	[sflag:s1] =	ssyncset.done $0x0  }
0x283: {  	[sflag:s1] =	ssyncadd.s32 $0xFFFFC000  }
0x284: {  	_ =	sfence.sel $0x180000  }
0x285: {  	[bflag:$0x0] =	sbarrier.arrive $0xFFFF  }
0x286: {  	_ =	strace $0x90000047  }
0x287: {  	s0 =	stileid.u32;
	[bflag:$0x2] =	sbarrier.arrive $0xFFFF  }
0x288: {  	p0 =	sne.s32 s0, $0x0;
	s0 =	rddreg [dreg:$0x4]  }
0x289: {  	s0 =	sadd.s32 @!p0 $0x100000, s0  }
0x28a: {  	[sflag:s0] =	ssyncadd.tile.s32 @!p0 $0x1;
	_ =	shalt  }
.Lfunc_end2:
_tile_overlayer_lowered:
.L_overlay_start_2:
0x28b: {  	(tag) =	ssettag $0x2  }
0x28c: {  	s0 =	rddreg [dreg:$0x0];
	s2 =	stileid.u32  }
0x28d: {  	s1 =	rddreg [dreg:$0x1];
	p0 =	sne.s32 s2, $0x0  }
0x28e: {  	s3 =	rddreg [dreg:$0x2];
	[bflag:$0x3] =	sbarrier.arrive $0xFFFF;
	s2 =	simm.s32 @!p0 $0x1C0B  }
0x28f: {  	[timem:s3], [sflag:s2] =	dma.local @!p0 [hbm:s0], s1  }
0x290: {  	s0 =	simm.s32 @!p0 $0xB  }
0x291: {  	_ =	swait.ge @!p0 [sflag:s0], s1  }
0x292: {  	s1 =	ssub.s32 @!p0 $0x0, s1;
	[sflag:s0] =	ssyncset.done @!p0 $0x0  }
0x293: {  	[sflag:s0] =	ssyncadd.s32 @!p0 s1  }
0x294: {  	[bflag:$0x3] =	sbarrier.arrive $0xFFFF  }
0x295: {  	_ =	shalt  }

</sc_bundles>
